<compile_context>
chip_gen: v7x
topology: tpu7x:2x2x1
jax: 0.10.2.dev20260603
libtpu: 0.0.44.dev20260713+nightly
codegen_flags: <defaults>
</compile_context>

<pallas_src>
import functools

import numpy as np
import jax
import jax.numpy as jnp
from jax import lax
from jax.experimental import pallas as pl
from jax.experimental.pallas import tpu as pltpu
from jax.experimental.pallas import tpu_sc as plsc

NUM_VIEW = 300
NUM_VIEW_PAD = 384
FEAT_DIM = 256
NUM_SAMPLE = 1024
EPS = 1e-5
THRESH = 0.09


def _template_views(n):
    phi = (np.sqrt(5.0) - 1.0) / 2.0
    i = np.arange(n, dtype=np.float64)
    zi = (2.0 * i + 1.0) / n - 1.0
    r = np.sqrt(np.clip(1.0 - zi * zi, 0.0, None))
    xi = r * np.cos(2.0 * i * np.pi * phi)
    yi = r * np.sin(2.0 * i * np.pi * phi)
    return np.stack([xi, yi, zi], axis=1).astype(np.float32)


def _score_kernel(f_ref, xyzT_ref, w1_ref, b1_ref, g1_ref, be1_ref, m1_ref,
                  v1_ref, w2_ref, b2_ref, score_ref, featT_ref):
    x = f_ref[0]
    h = jnp.dot(w1_ref[...], x, preferred_element_type=jnp.float32) + b1_ref[...]
    h = (h - m1_ref[...]) / jnp.sqrt(v1_ref[...] + EPS) * g1_ref[...] + be1_ref[...]
    h = jnp.maximum(h, 0.0)
    s = jnp.dot(w2_ref[...], h, preferred_element_type=jnp.float32) + b2_ref[0, 0]
    score_ref[0] = s
    wide = jnp.concatenate(
        [x, xyzT_ref[0], s, jnp.zeros((124, x.shape[1]), jnp.float32)], axis=0)
    featT_ref[0] = wide.T


def _graspness_head(seed_features, xyzT, p):
    Bb, C, N = seed_features.shape
    W = C + 128
    BLK = 4096
    grid = (Bb, N // BLK)
    full = lambda shp: pl.BlockSpec(shp, lambda b, j: (0,) * len(shp))
    score, featT = pl.pallas_call(
        _score_kernel,
        grid=grid,
        in_specs=[
            pl.BlockSpec((1, C, BLK), lambda b, j: (b, 0, j)),
            pl.BlockSpec((1, 3, BLK), lambda b, j: (b, 0, j)),
            full((C, C)), full((C, 1)), full((C, 1)), full((C, 1)),
            full((C, 1)), full((C, 1)), full((1, C)), full((1, 1)),
        ],
        out_specs=[
            pl.BlockSpec((1, 1, BLK), lambda b, j: (b, 0, j)),
            pl.BlockSpec((1, BLK, W), lambda b, j: (b, j, 0)),
        ],
        out_shape=[
            jax.ShapeDtypeStruct((Bb, 1, N), jnp.float32),
            jax.ShapeDtypeStruct((Bb, N, W), jnp.float32),
        ],
    )(seed_features, xyzT,
      p['gh_w1'], p['gh_b1'].reshape(C, 1), p['gh_g1'].reshape(C, 1),
      p['gh_be1'].reshape(C, 1), p['gh_m1'].reshape(C, 1),
      p['gh_v1'].reshape(C, 1), p['gh_w2'].reshape(1, C),
      p['gh_b2'].reshape(1, 1))
    return score, featT


def _fps_kernel(xyz_ref, score_ref, inds_ref):
    Bb = xyz_ref.shape[0]
    R = xyz_ref.shape[2]
    Cc = xyz_ref.shape[3]
    N = R * Cc
    x = xyz_ref[:, 0]
    y = xyz_ref[:, 1]
    z = xyz_ref[:, 2]
    s = score_ref[...]
    idx = (lax.broadcasted_iota(jnp.int32, (Bb, R, Cc), 1) * Cc
           + lax.broadcasted_iota(jnp.int32, (Bb, R, Cc), 2))
    m = s > THRESH
    anym = jnp.any(m, axis=(1, 2), keepdims=True)
    m = jnp.logical_or(m, jnp.logical_not(anym))
    dist0 = jnp.where(m, jnp.float32(1e10), -jnp.inf)
    BIG = jnp.int32(N)
    far0 = jnp.min(jnp.where(m, idx, BIG), axis=(1, 2))
    bofs = lax.iota(jnp.int32, Bb) * N

    def body(i, carry):
        dist, far = carry
        sel = idx == far[:, None, None]
        fx = jnp.sum(jnp.where(sel, x, 0.0), axis=(1, 2))
        fy = jnp.sum(jnp.where(sel, y, 0.0), axis=(1, 2))
        fz = jnp.sum(jnp.where(sel, z, 0.0), axis=(1, 2))
        inds_ref[pl.ds(i, 1), :] = jnp.concatenate(
            [far + bofs, jnp.zeros((Bb,), jnp.int32)])[None, :]
        dx = x - fx[:, None, None]
        dy = y - fy[:, None, None]
        dz = z - fz[:, None, None]
        d = dx * dx + dy * dy + dz * dz
        dist = jnp.minimum(dist, d)
        mx = jnp.max(dist, axis=(1, 2))
        far = jnp.min(
            jnp.where(dist == mx[:, None, None], idx, BIG), axis=(1, 2))
        return dist, far

    def body8(i, c):
        for k in range(8):
            c = body(8 * i + k, c)
        return c

    lax.fori_loop(0, NUM_SAMPLE // 8, body8, (dist0, far0))


def _fps(xyzT, score):
    Bb = xyzT.shape[0]
    N = xyzT.shape[2]
    R = 128
    Cc = N // R
    xyz4 = xyzT.reshape(Bb, 3, R, Cc)
    score4 = score.reshape(Bb, R, Cc)
    full = lambda shp: pl.BlockSpec(shp, lambda: (0,) * len(shp))
    inds = pl.pallas_call(
        _fps_kernel,
        in_specs=[full((Bb, 3, R, Cc)), full((Bb, R, Cc))],
        out_specs=full((NUM_SAMPLE, 2 * Bb)),
        out_shape=jax.ShapeDtypeStruct((NUM_SAMPLE, 2 * Bb), jnp.int32),
    )(xyz4, score4)
    return inds[:, :Bb].T.reshape(-1)


def _gather_rows(featT_flat, inds_flat):
    M, D = featT_flat.shape
    T = inds_flat.shape[0]
    NW = 32
    per = T // NW
    mesh = plsc.VectorSubcoreMesh(core_axis_name="c", subcore_axis_name="s")

    @functools.partial(
        pl.kernel, mesh=mesh,
        out_type=jax.ShapeDtypeStruct((T, D), jnp.float32),
        scratch_types=[
            pltpu.VMEM((per,), jnp.int32),
            pltpu.VMEM((per, D), jnp.float32),
            pltpu.SemaphoreType.DMA,
        ],
    )
    def gk(inds_hbm, tab_hbm, out_hbm, idx_v, rows_v, sem):
        wid = lax.axis_index("s") * 2 + lax.axis_index("c")
        base = wid * per
        pltpu.sync_copy(inds_hbm.at[pl.ds(base, per)], idx_v)
        pltpu.async_copy(tab_hbm.at[idx_v], rows_v, sem).wait()
        pltpu.sync_copy(rows_v, out_hbm.at[pl.ds(base, per)])

    return gk(inds_flat, featT_flat)


def _view_kernel(f_ref, w1_ref, b1_ref, g1_ref, be1_ref, m1_ref, v1_ref,
                 w2_ref, b2_ref, g2_ref, be2_ref, m2_ref, v2_ref,
                 w3_ref, b3_ref, tvx_ref, tvy_ref, tvz_ref,
                 vs_ref, tvs_ref, vp_ref, rot_ref):
    F = f_ref[0]
    h = jnp.dot(w1_ref[...], F, preferred_element_type=jnp.float32) + b1_ref[...]
    h = (h - m1_ref[...]) / jnp.sqrt(v1_ref[...] + EPS) * g1_ref[...] + be1_ref[...]
    h = jnp.maximum(h, 0.0)
    h = jnp.dot(w2_ref[...], h, preferred_element_type=jnp.float32) + b2_ref[...]
    h = (h - m2_ref[...]) / jnp.sqrt(v2_ref[...] + EPS) * g2_ref[...] + be2_ref[...]
    h = jnp.maximum(h, 0.0)
    h3 = jnp.dot(w3_ref[...], h, preferred_element_type=jnp.float32) + b3_ref[...]
    vs_ref[0] = h3

    V, NS = h3.shape
    rowidx = lax.broadcasted_iota(jnp.int32, (V, NS), 0)
    h3m = jnp.where(rowidx < NUM_VIEW, h3, -jnp.inf)
    mx = jnp.max(h3m, axis=0, keepdims=True)
    tvs_ref[0] = mx
    am = jnp.min(jnp.where(h3m == mx, rowidx, jnp.int32(V)), axis=0,
                 keepdims=True)
    sel = rowidx == am
    vpx = jnp.sum(jnp.where(sel, tvx_ref[...], 0.0), axis=0, keepdims=True)
    vpy = jnp.sum(jnp.where(sel, tvy_ref[...], 0.0), axis=0, keepdims=True)
    vpz = jnp.sum(jnp.where(sel, tvz_ref[...], 0.0), axis=0, keepdims=True)
    vp_ref[0] = jnp.concatenate([vpx, vpy, vpz], axis=0)

    tx, ty, tz = -vpx, -vpy, -vpz
    ay0r, ay1r = -ty, tx
    ny = jnp.sqrt(ay0r * ay0r + ay1r * ay1r + 0.0)
    mz = ny == 0.0
    ay0 = jnp.where(mz, 0.0, ay0r)
    ay1 = jnp.where(mz, 1.0, ay1r)
    ay2 = jnp.zeros_like(ay0)
    nx = jnp.sqrt(tx * tx + ty * ty + tz * tz)
    ax0, ax1, ax2 = tx / nx, ty / nx, tz / nx
    nyn = jnp.sqrt(ay0 * ay0 + ay1 * ay1 + ay2 * ay2)
    ay0, ay1, ay2 = ay0 / nyn, ay1 / nyn, ay2 / nyn
    az0 = ax1 * ay2 - ax2 * ay1
    az1 = ax2 * ay0 - ax0 * ay2
    az2 = ax0 * ay1 - ax1 * ay0
    rot_ref[0] = jnp.concatenate(
        [ax0, ay0, az0, ax1, ay1, az1, ax2, ay2, az2], axis=0)


def _view_head(gfeat, p, tv_pad):
    Bb, C, NS = gfeat.shape
    V = NUM_VIEW_PAD
    full = lambda shp: pl.BlockSpec(shp, lambda b: (0,) * len(shp))

    def padw(w):
        return jnp.concatenate(
            [w, jnp.zeros((V - NUM_VIEW, w.shape[1]), w.dtype)], axis=0)

    def padv(v, fill=0.0):
        return jnp.concatenate(
            [v, jnp.full((V - NUM_VIEW,), fill, v.dtype)]).reshape(V, 1)

    vs, tvs, vp, rot = pl.pallas_call(
        _view_kernel,
        grid=(Bb,),
        in_specs=[
            pl.BlockSpec((1, C, NS), lambda b: (b, 0, 0)),
            full((C, C)), full((C, 1)), full((C, 1)), full((C, 1)),
            full((C, 1)), full((C, 1)),
            full((V, C)), full((V, 1)), full((V, 1)), full((V, 1)),
            full((V, 1)), full((V, 1)),
            full((V, V)), full((V, 1)),
            full((V, 1)), full((V, 1)), full((V, 1)),
        ],
        out_specs=[
            pl.BlockSpec((1, V, NS), lambda b: (b, 0, 0)),
            pl.BlockSpec((1, 1, NS), lambda b: (b, 0, 0)),
            pl.BlockSpec((1, 3, NS), lambda b: (b, 0, 0)),
            pl.BlockSpec((1, 9, NS), lambda b: (b, 0, 0)),
        ],
        out_shape=[
            jax.ShapeDtypeStruct((Bb, V, NS), jnp.float32),
            jax.ShapeDtypeStruct((Bb, 1, NS), jnp.float32),
            jax.ShapeDtypeStruct((Bb, 3, NS), jnp.float32),
            jax.ShapeDtypeStruct((Bb, 9, NS), jnp.float32),
        ],
    )(gfeat,
      p['w1'], p['b1'].reshape(C, 1), p['g1'].reshape(C, 1),
      p['be1'].reshape(C, 1), p['m1'].reshape(C, 1), p['v1'].reshape(C, 1),
      padw(p['w2']), padv(p['b2']), padv(p['g2']), padv(p['be2']),
      padv(p['m2']), padv(p['v2'], 1.0),
      jnp.pad(padw(p['w3']), ((0, 0), (0, V - NUM_VIEW))), padv(p['b3']),
      tv_pad[:, 0].reshape(V, 1), tv_pad[:, 1].reshape(V, 1),
      tv_pad[:, 2].reshape(V, 1))
    return vs, tvs, vp, rot


def kernel(seed_xyz, seed_features, params):
    Bb, N, _ = seed_xyz.shape
    C = seed_features.shape[1]

    xyzT = seed_xyz.transpose(0, 2, 1)
    score3, featT = _graspness_head(seed_features, xyzT, params)
    graspness_score = score3[:, 0, :]

    inds_g = _fps(xyzT, graspness_score)

    gflat = _gather_rows(featT.reshape(Bb * N, C + 128), inds_g)
    graspable_features = gflat[:, :C].reshape(Bb, NUM_SAMPLE, C).transpose(0, 2, 1)
    graspable_xyz = gflat[:, C:C + 3].reshape(Bb, NUM_SAMPLE, 3)
    fp2_graspness = gflat[:, C + 3].reshape(Bb, NUM_SAMPLE)

    tv = jnp.asarray(np.concatenate(
        [_template_views(NUM_VIEW),
         np.zeros((NUM_VIEW_PAD - NUM_VIEW, 3), np.float32)], axis=0))
    vs, tvs, vp, rot = _view_head(graspable_features, params, tv)

    view_score = vs[:, :NUM_VIEW, :].transpose(0, 2, 1)
    top_view_scores = tvs[:, 0, :]
    vp_xyz = vp.transpose(0, 2, 1)
    vp_rot = rot.reshape(Bb, 3, 3, NUM_SAMPLE).transpose(0, 3, 1, 2)

    return (graspness_score, graspable_xyz, graspable_features,
            fp2_graspness, view_score, top_view_scores, vp_xyz, vp_rot)

# --- scband reference (transcript-rebuilt; emitter-appended) ---
"""Pipeline reference for scband-approach-net-view-fps-23682449670880 (READ-ONLY COPY).

The authoritative reference and input builder live on the scoring server;
editing this copy changes nothing except your own understanding.
"""

import jax, jax.numpy as jnp
import numpy as np

NUM_VIEW = 300
FEAT_DIM = 256
NUM_SAMPLE = 1024
EPS = 1e-5
THRESH = 0.09


def conv1d(x, W, b):
    # x: [B, Cin, N], W: [Cout, Cin] (kernel size 1), b: [Cout]
    return jnp.einsum('oc,bcn->bon', W, x) + b[None, :, None]


def batchnorm(x, g, be, m, v):
    # inference-mode BatchNorm1d over channel dim of [B, C, N]
    return (x - m[None, :, None]) / jnp.sqrt(v[None, :, None] + EPS) * g[None, :, None] + be[None, :, None]


def generate_grasp_views(N):
    phi = (np.sqrt(5.0) - 1.0) / 2.0
    i = np.arange(N, dtype=np.float64)
    zi = (2.0 * i + 1.0) / N - 1.0
    r = np.sqrt(np.clip(1.0 - zi * zi, 0.0, None))
    xi = r * np.cos(2.0 * i * np.pi * phi)
    yi = r * np.sin(2.0 * i * np.pi * phi)
    return jnp.asarray(np.stack([xi, yi, zi], axis=1).astype(np.float32))


def batch_viewpoint_params_to_matrix(batch_towards, batch_angle):
    axis_x = batch_towards
    zeros = jnp.zeros(axis_x.shape[0], dtype=axis_x.dtype)
    axis_y = jnp.stack([-axis_x[:, 1], axis_x[:, 0], zeros], axis=-1)
    mask_y = jnp.linalg.norm(axis_y, axis=-1) == 0
    axis_y = jnp.where(mask_y[:, None], jnp.array([0.0, 1.0, 0.0], dtype=axis_x.dtype), axis_y)
    axis_x = axis_x / jnp.linalg.norm(axis_x, axis=-1, keepdims=True)
    axis_y = axis_y / jnp.linalg.norm(axis_y, axis=-1, keepdims=True)
    axis_z = jnp.cross(axis_x, axis_y)
    sin = jnp.sin(batch_angle)
    cos = jnp.cos(batch_angle)
    ones = jnp.ones_like(cos)
    zs = jnp.zeros_like(cos)
    R1 = jnp.stack([ones, zs, zs, zs, cos, -sin, zs, sin, cos], axis=-1).reshape(-1, 3, 3)
    R2 = jnp.stack([axis_x, axis_y, axis_z], axis=-1)
    return jnp.matmul(R2, R1)


def furthest_point_sample(xyz, mask, npoint):
    # xyz: [N, 3]; mask: [N] bool of valid candidates (at least one True)
    # matches CUDA FPS over the candidate subset (first candidate first,
    # duplicates of the first candidate if #candidates < npoint)
    neg = jnp.asarray(-jnp.inf, dtype=jnp.float32)
    dist0 = jnp.where(mask, jnp.asarray(1e10, dtype=jnp.float32), neg)
    far0 = jnp.argmax(mask).astype(jnp.int32)
    inds0 = jnp.zeros(npoint, dtype=jnp.int32)

    def body(i, carry):
        inds, dist, far = carry
        inds = inds.at[i].set(far)
        d = jnp.sum((xyz - xyz[far]) ** 2, axis=1)
        dist = jnp.where(mask, jnp.minimum(dist, d), neg)
        far = jnp.argmax(dist).astype(jnp.int32)
        return inds, dist, far

    inds, _, _ = jax.lax.fori_loop(0, npoint, body, (inds0, dist0, far0))
    return inds


def graspness_forward(seed_features, params):
    h = conv1d(seed_features, params['gh_w1'], params['gh_b1'])
    h = batchnorm(h, params['gh_g1'], params['gh_be1'], params['gh_m1'], params['gh_v1'])
    h = jax.nn.relu(h)
    graspable = conv1d(h, params['gh_w2'], params['gh_b2'])
    return graspable[:, 0]


def compute_graspable_inds(seed_xyz, graspness_score):
    def per_batch(xyz, score):
        m = score > THRESH
        m = jnp.where(jnp.any(m), m, jnp.ones_like(m))
        return furthest_point_sample(xyz, m, NUM_SAMPLE)

    return jax.vmap(per_batch)(seed_xyz, graspness_score)


def setup_inputs(seed: int = 0):
    key = jax.random.key(seed)
    ks = jax.random.split(key, 8)
    B, N = 4, 16384
    seed_xyz = jax.random.normal(ks[0], (B, N, 3), dtype=jnp.float32)
    seed_features = jax.random.normal(ks[1], (B, FEAT_DIM, N), dtype=jnp.float32)
    s = 1.0 / np.sqrt(FEAT_DIM)
    params = {
        'gh_w1': jax.random.normal(ks[2], (FEAT_DIM, FEAT_DIM), dtype=jnp.float32) * s,
        'gh_b1': jnp.zeros((FEAT_DIM,), dtype=jnp.float32),
        'gh_g1': jnp.ones((FEAT_DIM,), dtype=jnp.float32),
        'gh_be1': jnp.zeros((FEAT_DIM,), dtype=jnp.float32),
        'gh_m1': jnp.zeros((FEAT_DIM,), dtype=jnp.float32),
        'gh_v1': jnp.ones((FEAT_DIM,), dtype=jnp.float32),
        'gh_w2': jax.random.normal(ks[3], (1, FEAT_DIM), dtype=jnp.float32) * s,
        'gh_b2': jnp.zeros((1,), dtype=jnp.float32),
        'w1': jax.random.normal(ks[4], (FEAT_DIM, FEAT_DIM), dtype=jnp.float32) * s,
        'b1': jnp.zeros((FEAT_DIM,), dtype=jnp.float32),
        'g1': jnp.ones((FEAT_DIM,), dtype=jnp.float32),
        'be1': jnp.zeros((FEAT_DIM,), dtype=jnp.float32),
        'm1': jnp.zeros((FEAT_DIM,), dtype=jnp.float32),
        'v1': jnp.ones((FEAT_DIM,), dtype=jnp.float32),
        'w2': jax.random.normal(ks[5], (NUM_VIEW, FEAT_DIM), dtype=jnp.float32) * s,
        'b2': jnp.zeros((NUM_VIEW,), dtype=jnp.float32),
        'g2': jnp.ones((NUM_VIEW,), dtype=jnp.float32),
        'be2': jnp.zeros((NUM_VIEW,), dtype=jnp.float32),
        'm2': jnp.zeros((NUM_VIEW,), dtype=jnp.float32),
        'v2': jnp.ones((NUM_VIEW,), dtype=jnp.float32),
        'w3': jax.random.normal(ks[6], (NUM_VIEW, NUM_VIEW), dtype=jnp.float32) * (1.0 / np.sqrt(NUM_VIEW)),
        'b3': jnp.zeros((NUM_VIEW,), dtype=jnp.float32),
    }
    return {'seed_xyz': seed_xyz, 'seed_features': seed_features, 'params': params}


def reference(seed_xyz, seed_features, params):
    B = seed_xyz.shape[0]
    graspness_score = graspness_forward(seed_features, params)
    graspable_inds = compute_graspable_inds(seed_xyz, graspness_score)
    idx3 = jnp.broadcast_to(graspable_inds[:, :, None], (B, NUM_SAMPLE, 3))
    graspable_xyz = jnp.take_along_axis(seed_xyz, idx3, axis=1)
    idxf = jnp.broadcast_to(graspable_inds[:, :, None], (B, NUM_SAMPLE, FEAT_DIM))
    graspable_features = jnp.take_along_axis(jnp.transpose(seed_features, (0, 2, 1)), idxf, axis=1)
    graspable_features = jnp.transpose(graspable_features, (0, 2, 1))
    num_seed = graspable_xyz.shape[1]
    fp2_graspness = jnp.take_along_axis(graspness_score, graspable_inds, axis=1)
    features = jax.nn.relu(batchnorm(conv1d(graspable_features, params['w1'], params['b1']), params['g1'], params['be1'], params['m1'], params['v1']))
    features = jax.nn.relu(batchnorm(conv1d(features, params['w2'], params['b2']), params['g2'], params['be2'], params['m2'], params['v2']))
    features = conv1d(features, params['w3'], params['b3'])
    view_score = jnp.transpose(features, (0, 2, 1))
    top_view_scores = jnp.max(view_score, axis=2)
    top_view_inds = jnp.argmax(view_score, axis=2)
    template_views = generate_grasp_views(NUM_VIEW)
    vp_xyz = jnp.take(template_views, top_view_inds.reshape(-1), axis=0).reshape(B, num_seed, 3)
    vp_xyz_ = vp_xyz.reshape(-1, 3)
    batch_angle = jnp.zeros(vp_xyz_.shape[0], dtype=vp_xyz.dtype)
    vp_rot = batch_viewpoint_params_to_matrix(-vp_xyz_, batch_angle).reshape(B, num_seed, 3, 3)
    return (graspness_score, graspable_xyz, graspable_features, fp2_graspness, view_score, top_view_scores, vp_xyz, vp_rot)

if __name__ == "__main__":
    import jax
    _d = setup_inputs()
    print(jax.jit(kernel)(*tuple(_d.values())))

</pallas_src>

<mosaic_0001>
#map = affine_map<(d0, d1) -> (0)>
#map1 = affine_map<(d0, d1) -> (0, 0)>
module attributes {stable_mosaic.version = 14 : i64} {
  func.func @gk(%arg0: i32, %arg1: i32, %arg2: memref<4096xi32, #tpu.memory_space<hbm>>, %arg3: memref<65536x384xf32, #tpu.memory_space<hbm>>, %arg4: memref<4096x384xf32, #tpu.memory_space<hbm>>, %arg5: memref<128xi32, #tpu.memory_space<vmem>>, %arg6: memref<128x384xf32, #tpu.memory_space<vmem>>, %arg7: memref<!tpu.dma_semaphore, #tpu.memory_space<semaphore_mem>>) attributes {dimension_semantics = [#tpu.dimension_semantics<core_parallel>, #tpu.dimension_semantics<subcore_parallel>], iteration_bounds = array<i64: 2, 16>, scalar_prefetch = 0 : i64, scratch_operands = 3 : i64, tpu.core_type = #tpu.core_type<sc_vector_subcore>, window_params = [{transform_indices = #map}, {transform_indices = #map1}, {transform_indices = #map1}]} {
    %mul3A = arith.constant 2 : i32
    %mul3A_0 = arith.muli %arg1, %mul3A : i32
    %add3A = arith.addi %mul3A_0, %arg0 : i32
    %mul3A_1 = arith.constant 128 : i32
    %mul3A_2 = arith.muli %add3A, %mul3A_1 : i32
    "tpu.region"() ({
      %run_scoped3A = tpu.sem_alloc : memref<!tpu.dma_semaphore, #tpu.memory_space<semaphore_mem>>
      %dma_start3A_7 = tpu.memref_slice %arg2[%mul3A_2] : memref<4096xi32, #tpu.memory_space<hbm>> -> memref<128xi32, #tpu.memory_space<hbm>>
      %dma_start3A_8 = tpu.memref_slice %arg2[%mul3A_2] : memref<4096xi32, #tpu.memory_space<hbm>> -> memref<128xi32, #tpu.memory_space<hbm>>
      tpu.enqueue_dma source(%dma_start3A_8 : memref<128xi32, #tpu.memory_space<hbm>>) target(%arg5 : memref<128xi32, #tpu.memory_space<vmem>>) target_semaphore(%run_scoped3A : memref<!tpu.dma_semaphore, #tpu.memory_space<semaphore_mem>>)
      %dma_wait3A_9 = tpu.memref_slice %arg2[%mul3A_2] : memref<4096xi32, #tpu.memory_space<hbm>> -> memref<128xi32, #tpu.memory_space<hbm>>
      %dma_wait3A_10 = tpu.memref_slice %arg2[%mul3A_2] : memref<4096xi32, #tpu.memory_space<hbm>> -> memref<128xi32, #tpu.memory_space<hbm>>
      tpu.wait_dma2 semaphore(%run_scoped3A : memref<!tpu.dma_semaphore, #tpu.memory_space<semaphore_mem>>) src(%dma_wait3A_10 : memref<128xi32, #tpu.memory_space<hbm>>) dst(%arg5 : memref<128xi32, #tpu.memory_space<vmem>>)
      tpu.yield
    }) : () -> ()
    %dma_start3A = arith.constant 0 : i32
    %dma_start3A_3 = arith.constant 0 : i32
    %dma_start3A_4 = tpu.memref_slice %arg3[%dma_start3A, %dma_start3A_3] : memref<65536x384xf32, #tpu.memory_space<hbm>> -> memref<65536x384xf32, #tpu.memory_space<hbm>>
    tpu.enqueue_indirect_dma source(%dma_start3A_4 : memref<65536x384xf32, #tpu.memory_space<hbm>>) target(%arg6 : memref<128x384xf32, #tpu.memory_space<vmem>>) offsets(%arg5 : memref<128xi32, #tpu.memory_space<vmem>>) semaphore(%arg7 : memref<!tpu.dma_semaphore, #tpu.memory_space<semaphore_mem>>)
    %dma_wait3A = arith.constant 0 : i32
    %dma_wait3A_5 = arith.constant 0 : i32
    %dma_wait3A_6 = tpu.memref_slice %arg3[%dma_wait3A, %dma_wait3A_5] : memref<65536x384xf32, #tpu.memory_space<hbm>> -> memref<65536x384xf32, #tpu.memory_space<hbm>>
    tpu.wait_indirect_dma semaphore(%arg7 : memref<!tpu.dma_semaphore, #tpu.memory_space<semaphore_mem>>) src(%dma_wait3A_6 : memref<65536x384xf32, #tpu.memory_space<hbm>>) dst(%arg6 : memref<128x384xf32, #tpu.memory_space<vmem>>)
    "tpu.region"() ({
      %run_scoped3A = tpu.sem_alloc : memref<!tpu.dma_semaphore, #tpu.memory_space<semaphore_mem>>
      %dma_start3A_7 = arith.constant 0 : i32
      %dma_start3A_8 = tpu.memref_slice %arg4[%mul3A_2, %dma_start3A_7] : memref<4096x384xf32, #tpu.memory_space<hbm>> -> memref<128x384xf32, #tpu.memory_space<hbm>>
      %dma_start3A_9 = arith.constant 0 : i32
      %dma_start3A_10 = tpu.memref_slice %arg4[%mul3A_2, %dma_start3A_9] : memref<4096x384xf32, #tpu.memory_space<hbm>> -> memref<128x384xf32, #tpu.memory_space<hbm>>
      tpu.enqueue_dma source(%arg6 : memref<128x384xf32, #tpu.memory_space<vmem>>) target(%dma_start3A_10 : memref<128x384xf32, #tpu.memory_space<hbm>>) target_semaphore(%run_scoped3A : memref<!tpu.dma_semaphore, #tpu.memory_space<semaphore_mem>>)
      %dma_wait3A_11 = arith.constant 0 : i32
      %dma_wait3A_12 = tpu.memref_slice %arg4[%mul3A_2, %dma_wait3A_11] : memref<4096x384xf32, #tpu.memory_space<hbm>> -> memref<128x384xf32, #tpu.memory_space<hbm>>
      %dma_wait3A_13 = arith.constant 0 : i32
      %dma_wait3A_14 = tpu.memref_slice %arg4[%mul3A_2, %dma_wait3A_13] : memref<4096x384xf32, #tpu.memory_space<hbm>> -> memref<128x384xf32, #tpu.memory_space<hbm>>
      tpu.wait_dma2 semaphore(%run_scoped3A : memref<!tpu.dma_semaphore, #tpu.memory_space<semaphore_mem>>) src(%arg6 : memref<128x384xf32, #tpu.memory_space<vmem>>) dst(%dma_wait3A_14 : memref<128x384xf32, #tpu.memory_space<hbm>>)
      tpu.yield
    }) : () -> ()
    return
  }
}

module attributes {stable_mosaic.version = 14 : i64} {
  func.func @_score_kernel(%arg0: i32, %arg1: i32, %arg2: memref<1x256x4096xf32, #tpu.memory_space<vmem>>, %arg3: memref<1x3x4096xf32, #tpu.memory_space<vmem>>, %arg4: memref<256x256xf32, #tpu.memory_space<vmem>>, %arg5: memref<256x1xf32, #tpu.memory_space<vmem>>, %arg6: memref<256x1xf32, #tpu.memory_space<vmem>>, %arg7: memref<256x1xf32, #tpu.memory_space<vmem>>, %arg8: memref<256x1xf32, #tpu.memory_space<vmem>>, %arg9: memref<256x1xf32, #tpu.memory_space<vmem>>, %arg10: memref<1x256xf32, #tpu.memory_space<vmem>>, %arg11: memref<1x1xf32, #tpu.memory_space<vmem>>, %arg12: memref<1x1x4096xf32, #tpu.memory_space<vmem>>, %arg13: memref<1x4096x384xf32, #tpu.memory_space<vmem>>) attributes {dimension_semantics = [#tpu.dimension_semantics<arbitrary>, #tpu.dimension_semantics<arbitrary>], iteration_bounds = array<i64: 4, 4>, scalar_prefetch = 0 : i64, scratch_operands = 0 : i64, tpu.core_type = #tpu.core_type<tc>, window_params = [{transform_indices = @transform_0, window_bounds = array<i64: 1, 256, 4096>}, {transform_indices = @transform_1, window_bounds = array<i64: 1, 3, 4096>}, {pipeline_mode = #tpu.pipeline_mode<synchronous>, transform_indices = @transform_2, window_bounds = array<i64: 256, 256>}, {pipeline_mode = #tpu.pipeline_mode<synchronous>, transform_indices = @transform_3, window_bounds = array<i64: 256, 1>}, {pipeline_mode = #tpu.pipeline_mode<synchronous>, transform_indices = @transform_4, window_bounds = array<i64: 256, 1>}, {pipeline_mode = #tpu.pipeline_mode<synchronous>, transform_indices = @transform_5, window_bounds = array<i64: 256, 1>}, {pipeline_mode = #tpu.pipeline_mode<synchronous>, transform_indices = @transform_6, window_bounds = array<i64: 256, 1>}, {pipeline_mode = #tpu.pipeline_mode<synchronous>, transform_indices = @transform_7, window_bounds = array<i64: 256, 1>}, {pipeline_mode = #tpu.pipeline_mode<synchronous>, transform_indices = @transform_8, window_bounds = array<i64: 1, 256>}, {pipeline_mode = #tpu.pipeline_mode<synchronous>, transform_indices = @transform_9, window_bounds = array<i64: 1, 1>}, {transform_indices = @transform_10, window_bounds = array<i64: 1, 1, 4096>}, {transform_indices = @transform_11, window_bounds = array<i64: 1, 4096, 384>}]} {
    %get3A = arith.constant 0 : index
    %get3A_0 = arith.constant 0 : index
    %get3A_1 = arith.constant 0 : index
    %get3A_2 = vector.load %arg2[%get3A, %get3A_0, %get3A_1] : memref<1x256x4096xf32, #tpu.memory_space<vmem>>, vector<1x256x4096xf32>
    %get3A_3 = vector.shape_cast %get3A_2 : vector<1x256x4096xf32> to vector<256x4096xf32>
    %get3A_4 = arith.constant 0 : index
    %get3A_5 = arith.constant 0 : index
    %get3A_6 = vector.load %arg4[%get3A_4, %get3A_5] : memref<256x256xf32, #tpu.memory_space<vmem>>, vector<256x256xf32>
    %dot_general3A = arith.constant dense<0.000000e+00> : vector<256x4096xf32>
    %dot_general3A_7 = tpu.matmul %get3A_6, %get3A_3, %dot_general3A {dimension_numbers = #tpu.dot_dimension_numbers<[1], [0], [0], [1], [0, 0, 1, 1], [], []>, transpose_lhs_hint = false} : vector<256x256xf32>, vector<256x4096xf32>, vector<256x4096xf32> -> vector<256x4096xf32>
    %get3A_8 = arith.constant 0 : index
    %get3A_9 = arith.constant 0 : index
    %get3A_10 = vector.load %arg5[%get3A_8, %get3A_9] : memref<256x1xf32, #tpu.memory_space<vmem>>, vector<256x1xf32>
    %add3A = vector.broadcast %get3A_10 : vector<256x1xf32> to vector<256x4096xf32>
    %add3A_11 = arith.addf %dot_general3A_7, %add3A : vector<256x4096xf32>
    %get3A_12 = arith.constant 0 : index
    %get3A_13 = arith.constant 0 : index
    %get3A_14 = vector.load %arg8[%get3A_12, %get3A_13] : memref<256x1xf32, #tpu.memory_space<vmem>>, vector<256x1xf32>
    %sub3A = vector.broadcast %get3A_14 : vector<256x1xf32> to vector<256x4096xf32>
    %sub3A_15 = arith.subf %add3A_11, %sub3A : vector<256x4096xf32>
    %get3A_16 = arith.constant 0 : index
    %get3A_17 = arith.constant 0 : index
    %get3A_18 = vector.load %arg9[%get3A_16, %get3A_17] : memref<256x1xf32, #tpu.memory_space<vmem>>, vector<256x1xf32>
    %add3A_19 = arith.constant 9.99999974E-6 : f32
    %add3A_20 = vector.broadcast %add3A_19 : f32 to vector<256x1xf32>
    %add3A_21 = arith.addf %get3A_18, %add3A_20 : vector<256x1xf32>
    %sqrt3A = math.sqrt %add3A_21 : vector<256x1xf32>
    %div3A = vector.broadcast %sqrt3A : vector<256x1xf32> to vector<256x4096xf32>
    %div3A_22 = arith.divf %sub3A_15, %div3A : vector<256x4096xf32>
    %get3A_23 = arith.constant 0 : index
    %get3A_24 = arith.constant 0 : index
    %get3A_25 = vector.load %arg6[%get3A_23, %get3A_24] : memref<256x1xf32, #tpu.memory_space<vmem>>, vector<256x1xf32>
    %mul3A = vector.broadcast %get3A_25 : vector<256x1xf32> to vector<256x4096xf32>
    %mul3A_26 = arith.mulf %div3A_22, %mul3A : vector<256x4096xf32>
    %get3A_27 = arith.constant 0 : index
    %get3A_28 = arith.constant 0 : index
    %get3A_29 = vector.load %arg7[%get3A_27, %get3A_28] : memref<256x1xf32, #tpu.memory_space<vmem>>, vector<256x1xf32>
    %add3A_30 = vector.broadcast %get3A_29 : vector<256x1xf32> to vector<256x4096xf32>
    %add3A_31 = arith.addf %mul3A_26, %add3A_30 : vector<256x4096xf32>
    %max3A = arith.constant 0.000000e+00 : f32
    %max3A_32 = vector.broadcast %max3A : f32 to vector<256x4096xf32>
    %max3A_33 = arith.maximumf %add3A_31, %max3A_32 : vector<256x4096xf32>
    %get3A_34 = arith.constant 0 : index
    %get3A_35 = arith.constant 0 : index
    %get3A_36 = vector.load %arg10[%get3A_34, %get3A_35] : memref<1x256xf32, #tpu.memory_space<vmem>>, vector<1x256xf32>
    %dot_general3A_37 = arith.constant dense<0.000000e+00> : vector<1x4096xf32>
    %dot_general3A_38 = tpu.matmul %get3A_36, %max3A_33, %dot_general3A_37 {dimension_numbers = #tpu.dot_dimension_numbers<[1], [0], [0], [1], [0, 0, 1, 1], [], []>, transpose_lhs_hint = false} : vector<1x256xf32>, vector<256x4096xf32>, vector<1x4096xf32> -> vector<1x4096xf32>
    %get3A_39 = arith.constant 0 : index
    %get3A_40 = arith.constant 0 : index
    %get3A_41 = vector.load %arg11[%get3A_39, %get3A_40] : memref<1x1xf32, #tpu.memory_space<vmem>>, vector<1x1xf32>
    %get3A_42 = vector.extract %get3A_41[0, 0] : f32 from vector<1x1xf32>
    %add3A_43 = vector.broadcast %get3A_42 : f32 to vector<1x4096xf32>
    %add3A_44 = arith.addf %dot_general3A_38, %add3A_43 : vector<1x4096xf32>
    %swap3A = arith.constant 0 : index
    %swap3A_45 = arith.constant 0 : index
    %swap3A_46 = arith.constant 0 : index
    %swap3A_47 = vector.load %arg12[%swap3A, %swap3A_45, %swap3A_46] : memref<1x1x4096xf32, #tpu.memory_space<vmem>>, vector<1x1x4096xf32>
    %swap3A_48 = vector.shape_cast %swap3A_47 : vector<1x1x4096xf32> to vector<1x4096xf32>
    %swap3A_49 = vector.shape_cast %add3A_44 : vector<1x4096xf32> to vector<1x1x4096xf32>
    tpu.vector_store %arg12[%swap3A, %swap3A_45, %swap3A_46], %swap3A_49 {strides = array<i32>} : memref<1x1x4096xf32, #tpu.memory_space<vmem>>, vector<1x1x4096xf32>,
    %get3A_50 = arith.constant 0 : index
    %get3A_51 = arith.constant 0 : index
    %get3A_52 = arith.constant 0 : index
    %get3A_53 = vector.load %arg3[%get3A_50, %get3A_51, %get3A_52] : memref<1x3x4096xf32, #tpu.memory_space<vmem>>, vector<1x3x4096xf32>
    %get3A_54 = vector.shape_cast %get3A_53 : vector<1x3x4096xf32> to vector<3x4096xf32>
    %broadcast_in_dim3A = arith.constant 0.000000e+00 : f32
    %broadcast_in_dim3A_55 = vector.broadcast %broadcast_in_dim3A : f32 to vector<124x4096xf32>
    %concatenate3A = tpu.concatenate %get3A_3, %get3A_54, %add3A_44, %broadcast_in_dim3A_55 in 0 : vector<256x4096xf32>, vector<3x4096xf32>, vector<1x4096xf32>, vector<124x4096xf32> -> vector<384x4096xf32>
    %transpose3A = tpu.transpose %concatenate3A, [1, 0] : vector<384x4096xf32> -> vector<4096x384xf32>
    %swap3A_56 = arith.constant 0 : index
    %swap3A_57 = arith.constant 0 : index
    %swap3A_58 = arith.constant 0 : index
    %swap3A_59 = vector.load %arg13[%swap3A_56, %swap3A_57, %swap3A_58] : memref<1x4096x384xf32, #tpu.memory_space<vmem>>, vector<1x4096x384xf32>
    %swap3A_60 = vector.shape_cast %swap3A_59 : vector<1x4096x384xf32> to vector<4096x384xf32>
    %swap3A_61 = vector.shape_cast %transpose3A : vector<4096x384xf32> to vector<1x4096x384xf32>
    tpu.vector_store %arg13[%swap3A_56, %swap3A_57, %swap3A_58], %swap3A_61 {strides = array<i32>} : memref<1x4096x384xf32, #tpu.memory_space<vmem>>, vector<1x4096x384xf32>,
    return
  }
  func.func @transform_0(%arg0: i32, %arg1: i32) -> (i32, i32, i32) {
    %c0_i32 = arith.constant 0 : i32
    %c0_i32_0 = arith.constant 0 : i32
    return %arg0, %c0_i32, %arg1 : i32, i32, i32
  }
  func.func @transform_1(%arg0: i32, %arg1: i32) -> (i32, i32, i32) {
    %c0_i32 = arith.constant 0 : i32
    %c0_i32_0 = arith.constant 0 : i32
    return %arg0, %c0_i32, %arg1 : i32, i32, i32
  }
  func.func @transform_2(%arg0: i32, %arg1: i32) -> (i32, i32) {
    %c0_i32 = arith.constant 0 : i32
    %c0_i32_0 = arith.constant 0 : i32
    %c0_i32_1 = arith.constant 0 : i32
    return %c0_i32, %c0_i32_0 : i32, i32
  }
  func.func @transform_3(%arg0: i32, %arg1: i32) -> (i32, i32) {
    %c0_i32 = arith.constant 0 : i32
    %c0_i32_0 = arith.constant 0 : i32
    %c0_i32_1 = arith.constant 0 : i32
    return %c0_i32, %c0_i32_0 : i32, i32
  }
  func.func @transform_4(%arg0: i32, %arg1: i32) -> (i32, i32) {
    %c0_i32 = arith.constant 0 : i32
    %c0_i32_0 = arith.constant 0 : i32
    %c0_i32_1 = arith.constant 0 : i32
    return %c0_i32, %c0_i32_0 : i32, i32
  }
  func.func @transform_5(%arg0: i32, %arg1: i32) -> (i32, i32) {
    %c0_i32 = arith.constant 0 : i32
    %c0_i32_0 = arith.constant 0 : i32
    %c0_i32_1 = arith.constant 0 : i32
    return %c0_i32, %c0_i32_0 : i32, i32
  }
  func.func @transform_6(%arg0: i32, %arg1: i32) -> (i32, i32) {
    %c0_i32 = arith.constant 0 : i32
    %c0_i32_0 = arith.constant 0 : i32
    %c0_i32_1 = arith.constant 0 : i32
    return %c0_i32, %c0_i32_0 : i32, i32
  }
  func.func @transform_7(%arg0: i32, %arg1: i32) -> (i32, i32) {
    %c0_i32 = arith.constant 0 : i32
    %c0_i32_0 = arith.constant 0 : i32
    %c0_i32_1 = arith.constant 0 : i32
    return %c0_i32, %c0_i32_0 : i32, i32
  }
  func.func @transform_8(%arg0: i32, %arg1: i32) -> (i32, i32) {
    %c0_i32 = arith.constant 0 : i32
    %c0_i32_0 = arith.constant 0 : i32
    %c0_i32_1 = arith.constant 0 : i32
    return %c0_i32, %c0_i32_0 : i32, i32
  }
  func.func @transform_9(%arg0: i32, %arg1: i32) -> (i32, i32) {
    %c0_i32 = arith.constant 0 : i32
    %c0_i32_0 = arith.constant 0 : i32
    %c0_i32_1 = arith.constant 0 : i32
    return %c0_i32, %c0_i32_0 : i32, i32
  }
  func.func @transform_10(%arg0: i32, %arg1: i32) -> (i32, i32, i32) {
    %c0_i32 = arith.constant 0 : i32
    %c0_i32_0 = arith.constant 0 : i32
    return %arg0, %c0_i32, %arg1 : i32, i32, i32
  }
  func.func @transform_11(%arg0: i32, %arg1: i32) -> (i32, i32, i32) {
    %c0_i32 = arith.constant 0 : i32
    %c0_i32_0 = arith.constant 0 : i32
    return %arg0, %arg1, %c0_i32 : i32, i32, i32
  }
}

module attributes {stable_mosaic.version = 14 : i64} {
  func.func @_fps_kernel(%arg0: memref<4x3x128x128xf32, #tpu.memory_space<vmem>>, %arg1: memref<4x128x128xf32, #tpu.memory_space<vmem>>, %arg2: memref<1024x8xi32, #tpu.memory_space<vmem>>) attributes {dimension_semantics = [], scalar_prefetch = 0 : i64, scratch_operands = 0 : i64, tpu.core_type = #tpu.core_type<tc>} {
    %get3A = arith.constant 0 : index
    %get3A_0 = arith.constant 0 : index
    %get3A_1 = arith.constant 0 : index
    %get3A_2 = arith.constant 0 : index
    %get3A_3 = vector.load %arg0[%get3A, %get3A_0, %get3A_1, %get3A_2] : memref<4x3x128x128xf32, #tpu.memory_space<vmem>>, vector<4x1x128x128xf32>
    %get3A_4 = vector.shape_cast %get3A_3 : vector<4x1x128x128xf32> to vector<4x128x128xf32>
    %get3A_5 = arith.constant 0 : index
    %get3A_6 = arith.constant 1 : index
    %get3A_7 = arith.constant 0 : index
    %get3A_8 = arith.constant 0 : index
    %get3A_9 = vector.load %arg0[%get3A_5, %get3A_6, %get3A_7, %get3A_8] : memref<4x3x128x128xf32, #tpu.memory_space<vmem>>, vector<4x1x128x128xf32>
    %get3A_10 = vector.shape_cast %get3A_9 : vector<4x1x128x128xf32> to vector<4x128x128xf32>
    %get3A_11 = arith.constant 0 : index
    %get3A_12 = arith.constant 2 : index
    %get3A_13 = arith.constant 0 : index
    %get3A_14 = arith.constant 0 : index
    %get3A_15 = vector.load %arg0[%get3A_11, %get3A_12, %get3A_13, %get3A_14] : memref<4x3x128x128xf32, #tpu.memory_space<vmem>>, vector<4x1x128x128xf32>
    %get3A_16 = vector.shape_cast %get3A_15 : vector<4x1x128x128xf32> to vector<4x128x128xf32>
    %get3A_17 = arith.constant 0 : index
    %get3A_18 = arith.constant 0 : index
    %get3A_19 = arith.constant 0 : index
    %get3A_20 = vector.load %arg1[%get3A_17, %get3A_18, %get3A_19] : memref<4x128x128xf32, #tpu.memory_space<vmem>>, vector<4x128x128xf32>
    %iota3A = tpu.iota {dimensions = array<i32: 1>} : vector<4x128x128xi32>
    %mul3A = arith.constant 128 : i32
    %mul3A_21 = vector.broadcast %mul3A : i32 to vector<4x128x128xi32>
    %mul3A_22 = arith.muli %iota3A, %mul3A_21 : vector<4x128x128xi32>
    %iota3A_23 = tpu.iota {dimensions = array<i32: 2>} : vector<4x128x128xi32>
    %add3A = arith.addi %mul3A_22, %iota3A_23 : vector<4x128x128xi32>
    %gt3A = arith.constant 9.000000e-02 : f32
    %gt3A_24 = vector.broadcast %gt3A : f32 to vector<4x128x128xf32>
    %gt3A_25 = arith.cmpf ogt, %get3A_20, %gt3A_24 : vector<4x128x128xf32>
    %reduce_or3A = arith.constant 1.000000e+00 : f32
    %reduce_or3A_26 = arith.constant 0.000000e+00 : f32
    %reduce_or3A_27 = vector.broadcast %reduce_or3A : f32 to vector<4x128x128xf32>
    %reduce_or3A_28 = vector.broadcast %reduce_or3A_26 : f32 to vector<4x128x128xf32>
    %reduce_or3A_29 = arith.select %gt3A_25, %reduce_or3A_27, %reduce_or3A_28 : vector<4x128x128xi1>, vector<4x128x128xf32>
    %reduce_or3A_30 = arith.constant dense<0xFF800000> : vector<4xf32>
    %reduce_or3A_31 = vector.multi_reduction <maximumf>, %reduce_or3A_29, %reduce_or3A_30 [1, 2] : vector<4x128x128xf32> to vector<4xf32>
    %reduce_or3A_32 = arith.constant 0.000000e+00 : f32
    %reduce_or3A_33 = vector.broadcast %reduce_or3A_32 : f32 to vector<4xf32>
    %reduce_or3A_34 = arith.cmpf ogt, %reduce_or3A_31, %reduce_or3A_33 : vector<4xf32>
    %broadcast_in_dim3A = vector.shape_cast %reduce_or3A_34 : vector<4xi1> to vector<4x1x1xi1>
    %not3A = arith.constant dense<true> : vector<4x1x1xi1>
    %not3A_35 = arith.xori %broadcast_in_dim3A, %not3A : vector<4x1x1xi1>
    %or3A = vector.broadcast %not3A_35 : vector<4x1x1xi1> to vector<4x128x128xi1>
    %or3A_36 = arith.ori %gt3A_25, %or3A : vector<4x128x128xi1>
    %jit3A = arith.constant 1.000000e+10 : f32
    %jit3A_37 = arith.constant 0xFF800000 : f32
    %broadcast_in_dim3A_38 = vector.broadcast %jit3A : f32 to vector<4x128x128xf32>
    %broadcast_in_dim3A_39 = vector.broadcast %jit3A_37 : f32 to vector<4x128x128xf32>
    %select_n3A = arith.select %or3A_36, %broadcast_in_dim3A_38, %broadcast_in_dim3A_39 : vector<4x128x128xi1>, vector<4x128x128xf32>
    %jit3A_40 = arith.constant 16384 : i32
    %broadcast_in_dim3A_41 = vector.broadcast %jit3A_40 : i32 to vector<4x128x128xi32>
    %select_n3A_42 = arith.select %or3A_36, %add3A, %broadcast_in_dim3A_41 : vector<4x128x128xi1>, vector<4x128x128xi32>
    %reduce_min3A = arith.constant dense<2147483647> : vector<4xi32>
    %reduce_min3A_43 = vector.multi_reduction <minsi>, %select_n3A_42, %reduce_min3A [1, 2] : vector<4x128x128xi32> to vector<4xi32>
    %iota3A_44 = tpu.iota {dimensions = array<i32: 1>} : vector<1x4xi32>
    %iota3A_45 = vector.shape_cast %iota3A_44 : vector<1x4xi32> to vector<4xi32>
    %mul3A_46 = arith.constant 16384 : i32
    %mul3A_47 = vector.broadcast %mul3A_46 : i32 to vector<4xi32>
    %mul3A_48 = arith.muli %iota3A_45, %mul3A_47 : vector<4xi32>
    %scan3A = arith.constant 16384 : i32
    %scan3A_49 = arith.constant 0 : i32
    %scan3A_50 = arith.constant 128 : i32
    %scan3A_51 = arith.addi %scan3A_49, %scan3A_50 : i32
    %scan3A_52 = arith.constant 1 : i32
    %scan3A_53:2 = scf.for %scan3A_55 = %scan3A_49 to %scan3A_51 step %scan3A_52 iter_args(%scan3A_56 = %select_n3A, %scan3A_57 = %reduce_min3A_43) -> (vector<4x128x128xf32>, vector<4xi32>)  : i32 {
      %mul3A_58 = arith.constant 8 : i32
      %mul3A_59 = arith.muli %mul3A_58, %scan3A_55 : i32
      %add3A_60 = arith.constant 0 : i32
      %add3A_61 = arith.addi %mul3A_59, %add3A_60 : i32
      %broadcast_in_dim3A_62 = vector.shape_cast %scan3A_57 : vector<4xi32> to vector<4x1x1xi32>
      %eq3A = vector.broadcast %broadcast_in_dim3A_62 : vector<4x1x1xi32> to vector<4x128x128xi32>
      %eq3A_63 = arith.cmpi eq, %add3A, %eq3A : vector<4x128x128xi32>
      %jit3A_64 = arith.constant 0.000000e+00 : f32
      %broadcast_in_dim3A_65 = vector.broadcast %jit3A_64 : f32 to vector<4x128x128xf32>
      %select_n3A_66 = arith.select %eq3A_63, %get3A_4, %broadcast_in_dim3A_65 : vector<4x128x128xi1>, vector<4x128x128xf32>
      %reduce_sum3A = arith.constant dense<0.000000e+00> : vector<4xf32>
      %reduce_sum3A_67 = vector.multi_reduction <add>, %select_n3A_66, %reduce_sum3A [1, 2] : vector<4x128x128xf32> to vector<4xf32>
      %jit3A_68 = arith.constant 0.000000e+00 : f32
      %broadcast_in_dim3A_69 = vector.broadcast %jit3A_68 : f32 to vector<4x128x128xf32>
      %select_n3A_70 = arith.select %eq3A_63, %get3A_10, %broadcast_in_dim3A_69 : vector<4x128x128xi1>, vector<4x128x128xf32>
      %reduce_sum3A_71 = arith.constant dense<0.000000e+00> : vector<4xf32>
      %reduce_sum3A_72 = vector.multi_reduction <add>, %select_n3A_70, %reduce_sum3A_71 [1, 2] : vector<4x128x128xf32> to vector<4xf32>
      %jit3A_73 = arith.constant 0.000000e+00 : f32
      %broadcast_in_dim3A_74 = vector.broadcast %jit3A_73 : f32 to vector<4x128x128xf32>
      %select_n3A_75 = arith.select %eq3A_63, %get3A_16, %broadcast_in_dim3A_74 : vector<4x128x128xi1>, vector<4x128x128xf32>
      %reduce_sum3A_76 = arith.constant dense<0.000000e+00> : vector<4xf32>
      %reduce_sum3A_77 = vector.multi_reduction <add>, %select_n3A_75, %reduce_sum3A_76 [1, 2] : vector<4x128x128xf32> to vector<4xf32>
      %add3A_78 = arith.addi %scan3A_57, %mul3A_48 : vector<4xi32>
      %broadcast_in_dim3A_79 = arith.constant 0 : i32
      %broadcast_in_dim3A_80 = vector.broadcast %broadcast_in_dim3A_79 : i32 to vector<4xi32>
      %concatenate3A = tpu.concatenate %add3A_78, %broadcast_in_dim3A_80 in 0 : vector<4xi32>, vector<4xi32> -> vector<8xi32>
      %broadcast_in_dim3A_81 = vector.shape_cast %concatenate3A : vector<8xi32> to vector<1x8xi32>
      %swap3A = arith.index_cast %add3A_61 : i32 to index
      %swap3A_82 = arith.constant 0 : index
      %swap3A_83 = vector.load %arg2[%swap3A, %swap3A_82] : memref<1024x8xi32, #tpu.memory_space<vmem>>, vector<1x8xi32>
      tpu.vector_store %arg2[%swap3A, %swap3A_82], %broadcast_in_dim3A_81 {strides = array<i32>} : memref<1024x8xi32, #tpu.memory_space<vmem>>, vector<1x8xi32>,
      %broadcast_in_dim3A_84 = vector.shape_cast %reduce_sum3A_67 : vector<4xf32> to vector<4x1x1xf32>
      %sub3A = vector.broadcast %broadcast_in_dim3A_84 : vector<4x1x1xf32> to vector<4x128x128xf32>
      %sub3A_85 = arith.subf %get3A_4, %sub3A : vector<4x128x128xf32>
      %broadcast_in_dim3A_86 = vector.shape_cast %reduce_sum3A_72 : vector<4xf32> to vector<4x1x1xf32>
      %sub3A_87 = vector.broadcast %broadcast_in_dim3A_86 : vector<4x1x1xf32> to vector<4x128x128xf32>
      %sub3A_88 = arith.subf %get3A_10, %sub3A_87 : vector<4x128x128xf32>
      %broadcast_in_dim3A_89 = vector.shape_cast %reduce_sum3A_77 : vector<4xf32> to vector<4x1x1xf32>
      %sub3A_90 = vector.broadcast %broadcast_in_dim3A_89 : vector<4x1x1xf32> to vector<4x128x128xf32>
      %sub3A_91 = arith.subf %get3A_16, %sub3A_90 : vector<4x128x128xf32>
      %mul3A_92 = arith.mulf %sub3A_85, %sub3A_85 : vector<4x128x128xf32>
      %mul3A_93 = arith.mulf %sub3A_88, %sub3A_88 : vector<4x128x128xf32>
      %add3A_94 = arith.addf %mul3A_92, %mul3A_93 : vector<4x128x128xf32>
      %mul3A_95 = arith.mulf %sub3A_91, %sub3A_91 : vector<4x128x128xf32>
      %add3A_96 = arith.addf %add3A_94, %mul3A_95 : vector<4x128x128xf32>
      %min3A = arith.minimumf %scan3A_56, %add3A_96 : vector<4x128x128xf32>
      %reduce_max3A = arith.constant dense<0xFF800000> : vector<4xf32>
      %reduce_max3A_97 = vector.multi_reduction <maximumf>, %min3A, %reduce_max3A [1, 2] : vector<4x128x128xf32> to vector<4xf32>
      %broadcast_in_dim3A_98 = vector.shape_cast %reduce_max3A_97 : vector<4xf32> to vector<4x1x1xf32>
      %eq3A_99 = vector.broadcast %broadcast_in_dim3A_98 : vector<4x1x1xf32> to vector<4x128x128xf32>
      %eq3A_100 = arith.cmpf oeq, %min3A, %eq3A_99 : vector<4x128x128xf32>
      %broadcast_in_dim3A_101 = vector.broadcast %scan3A : i32 to vector<4x128x128xi32>
      %select_n3A_102 = arith.select %eq3A_100, %add3A, %broadcast_in_dim3A_101 : vector<4x128x128xi1>, vector<4x128x128xi32>
      %reduce_min3A_103 = arith.constant dense<2147483647> : vector<4xi32>
      %reduce_min3A_104 = vector.multi_reduction <minsi>, %select_n3A_102, %reduce_min3A_103 [1, 2] : vector<4x128x128xi32> to vector<4xi32>
      %mul3A_105 = arith.constant 8 : i32
      %mul3A_106 = arith.muli %mul3A_105, %scan3A_55 : i32
      %add3A_107 = arith.constant 1 : i32
      %add3A_108 = arith.addi %mul3A_106, %add3A_107 : i32
      %broadcast_in_dim3A_109 = vector.shape_cast %reduce_min3A_104 : vector<4xi32> to vector<4x1x1xi32>
      %eq3A_110 = vector.broadcast %broadcast_in_dim3A_109 : vector<4x1x1xi32> to vector<4x128x128xi32>
      %eq3A_111 = arith.cmpi eq, %add3A, %eq3A_110 : vector<4x128x128xi32>
      %jit3A_112 = arith.constant 0.000000e+00 : f32
      %broadcast_in_dim3A_113 = vector.broadcast %jit3A_112 : f32 to vector<4x128x128xf32>
      %select_n3A_114 = arith.select %eq3A_111, %get3A_4, %broadcast_in_dim3A_113 : vector<4x128x128xi1>, vector<4x128x128xf32>
      %reduce_sum3A_115 = arith.constant dense<0.000000e+00> : vector<4xf32>
      %reduce_sum3A_116 = vector.multi_reduction <add>, %select_n3A_114, %reduce_sum3A_115 [1, 2] : vector<4x128x128xf32> to vector<4xf32>
      %jit3A_117 = arith.constant 0.000000e+00 : f32
      %broadcast_in_dim3A_118 = vector.broadcast %jit3A_117 : f32 to vector<4x128x128xf32>
      %select_n3A_119 = arith.select %eq3A_111, %get3A_10, %broadcast_in_dim3A_118 : vector<4x128x128xi1>, vector<4x128x128xf32>
      %reduce_sum3A_120 = arith.constant dense<0.000000e+00> : vector<4xf32>
      %reduce_sum3A_121 = vector.multi_reduction <add>, %select_n3A_119, %reduce_sum3A_120 [1, 2] : vector<4x128x128xf32> to vector<4xf32>
      %jit3A_122 = arith.constant 0.000000e+00 : f32
      %broadcast_in_dim3A_123 = vector.broadcast %jit3A_122 : f32 to vector<4x128x128xf32>
      %select_n3A_124 = arith.select %eq3A_111, %get3A_16, %broadcast_in_dim3A_123 : vector<4x128x128xi1>, vector<4x128x128xf32>
      %reduce_sum3A_125 = arith.constant dense<0.000000e+00> : vector<4xf32>
      %reduce_sum3A_126 = vector.multi_reduction <add>, %select_n3A_124, %reduce_sum3A_125 [1, 2] : vector<4x128x128xf32> to vector<4xf32>
      %add3A_127 = arith.addi %reduce_min3A_104, %mul3A_48 : vector<4xi32>
      %broadcast_in_dim3A_128 = arith.constant 0 : i32
      %broadcast_in_dim3A_129 = vector.broadcast %broadcast_in_dim3A_128 : i32 to vector<4xi32>
      %concatenate3A_130 = tpu.concatenate %add3A_127, %broadcast_in_dim3A_129 in 0 : vector<4xi32>, vector<4xi32> -> vector<8xi32>
      %broadcast_in_dim3A_131 = vector.shape_cast %concatenate3A_130 : vector<8xi32> to vector<1x8xi32>
      %swap3A_132 = arith.index_cast %add3A_108 : i32 to index
      %swap3A_133 = arith.constant 0 : index
      %swap3A_134 = vector.load %arg2[%swap3A_132, %swap3A_133] : memref<1024x8xi32, #tpu.memory_space<vmem>>, vector<1x8xi32>
      tpu.vector_store %arg2[%swap3A_132, %swap3A_133], %broadcast_in_dim3A_131 {strides = array<i32>} : memref<1024x8xi32, #tpu.memory_space<vmem>>, vector<1x8xi32>,
      %broadcast_in_dim3A_135 = vector.shape_cast %reduce_sum3A_116 : vector<4xf32> to vector<4x1x1xf32>
      %sub3A_136 = vector.broadcast %broadcast_in_dim3A_135 : vector<4x1x1xf32> to vector<4x128x128xf32>
      %sub3A_137 = arith.subf %get3A_4, %sub3A_136 : vector<4x128x128xf32>
      %broadcast_in_dim3A_138 = vector.shape_cast %reduce_sum3A_121 : vector<4xf32> to vector<4x1x1xf32>
      %sub3A_139 = vector.broadcast %broadcast_in_dim3A_138 : vector<4x1x1xf32> to vector<4x128x128xf32>
      %sub3A_140 = arith.subf %get3A_10, %sub3A_139 : vector<4x128x128xf32>
      %broadcast_in_dim3A_141 = vector.shape_cast %reduce_sum3A_126 : vector<4xf32> to vector<4x1x1xf32>
      %sub3A_142 = vector.broadcast %broadcast_in_dim3A_141 : vector<4x1x1xf32> to vector<4x128x128xf32>
      %sub3A_143 = arith.subf %get3A_16, %sub3A_142 : vector<4x128x128xf32>
      %mul3A_144 = arith.mulf %sub3A_137, %sub3A_137 : vector<4x128x128xf32>
      %mul3A_145 = arith.mulf %sub3A_140, %sub3A_140 : vector<4x128x128xf32>
      %add3A_146 = arith.addf %mul3A_144, %mul3A_145 : vector<4x128x128xf32>
      %mul3A_147 = arith.mulf %sub3A_143, %sub3A_143 : vector<4x128x128xf32>
      %add3A_148 = arith.addf %add3A_146, %mul3A_147 : vector<4x128x128xf32>
      %min3A_149 = arith.minimumf %min3A, %add3A_148 : vector<4x128x128xf32>
      %reduce_max3A_150 = arith.constant dense<0xFF800000> : vector<4xf32>
      %reduce_max3A_151 = vector.multi_reduction <maximumf>, %min3A_149, %reduce_max3A_150 [1, 2] : vector<4x128x128xf32> to vector<4xf32>
      %broadcast_in_dim3A_152 = vector.shape_cast %reduce_max3A_151 : vector<4xf32> to vector<4x1x1xf32>
      %eq3A_153 = vector.broadcast %broadcast_in_dim3A_152 : vector<4x1x1xf32> to vector<4x128x128xf32>
      %eq3A_154 = arith.cmpf oeq, %min3A_149, %eq3A_153 : vector<4x128x128xf32>
      %broadcast_in_dim3A_155 = vector.broadcast %scan3A : i32 to vector<4x128x128xi32>
      %select_n3A_156 = arith.select %eq3A_154, %add3A, %broadcast_in_dim3A_155 : vector<4x128x128xi1>, vector<4x128x128xi32>
      %reduce_min3A_157 = arith.constant dense<2147483647> : vector<4xi32>
      %reduce_min3A_158 = vector.multi_reduction <minsi>, %select_n3A_156, %reduce_min3A_157 [1, 2] : vector<4x128x128xi32> to vector<4xi32>
      %mul3A_159 = arith.constant 8 : i32
      %mul3A_160 = arith.muli %mul3A_159, %scan3A_55 : i32
      %add3A_161 = arith.constant 2 : i32
      %add3A_162 = arith.addi %mul3A_160, %add3A_161 : i32
      %broadcast_in_dim3A_163 = vector.shape_cast %reduce_min3A_158 : vector<4xi32> to vector<4x1x1xi32>
      %eq3A_164 = vector.broadcast %broadcast_in_dim3A_163 : vector<4x1x1xi32> to vector<4x128x128xi32>
      %eq3A_165 = arith.cmpi eq, %add3A, %eq3A_164 : vector<4x128x128xi32>
      %jit3A_166 = arith.constant 0.000000e+00 : f32
      %broadcast_in_dim3A_167 = vector.broadcast %jit3A_166 : f32 to vector<4x128x128xf32>
      %select_n3A_168 = arith.select %eq3A_165, %get3A_4, %broadcast_in_dim3A_167 : vector<4x128x128xi1>, vector<4x128x128xf32>
      %reduce_sum3A_169 = arith.constant dense<0.000000e+00> : vector<4xf32>
      %reduce_sum3A_170 = vector.multi_reduction <add>, %select_n3A_168, %reduce_sum3A_169 [1, 2] : vector<4x128x128xf32> to vector<4xf32>
      %jit3A_171 = arith.constant 0.000000e+00 : f32
      %broadcast_in_dim3A_172 = vector.broadcast %jit3A_171 : f32 to vector<4x128x128xf32>
      %select_n3A_173 = arith.select %eq3A_165, %get3A_10, %broadcast_in_dim3A_172 : vector<4x128x128xi1>, vector<4x128x128xf32>
      %reduce_sum3A_174 = arith.constant dense<0.000000e+00> : vector<4xf32>
      %reduce_sum3A_175 = vector.multi_reduction <add>, %select_n3A_173, %reduce_sum3A_174 [1, 2] : vector<4x128x128xf32> to vector<4xf32>
      %jit3A_176 = arith.constant 0.000000e+00 : f32
      %broadcast_in_dim3A_177 = vector.broadcast %jit3A_176 : f32 to vector<4x128x128xf32>
      %select_n3A_178 = arith.select %eq3A_165, %get3A_16, %broadcast_in_dim3A_177 : vector<4x128x128xi1>, vector<4x128x128xf32>
      %reduce_sum3A_179 = arith.constant dense<0.000000e+00> : vector<4xf32>
      %reduce_sum3A_180 = vector.multi_reduction <add>, %select_n3A_178, %reduce_sum3A_179 [1, 2] : vector<4x128x128xf32> to vector<4xf32>
      %add3A_181 = arith.addi %reduce_min3A_158, %mul3A_48 : vector<4xi32>
      %broadcast_in_dim3A_182 = arith.constant 0 : i32
      %broadcast_in_dim3A_183 = vector.broadcast %broadcast_in_dim3A_182 : i32 to vector<4xi32>
      %concatenate3A_184 = tpu.concatenate %add3A_181, %broadcast_in_dim3A_183 in 0 : vector<4xi32>, vector<4xi32> -> vector<8xi32>
      %broadcast_in_dim3A_185 = vector.shape_cast %concatenate3A_184 : vector<8xi32> to vector<1x8xi32>
      %swap3A_186 = arith.index_cast %add3A_162 : i32 to index
      %swap3A_187 = arith.constant 0 : index
      %swap3A_188 = vector.load %arg2[%swap3A_186, %swap3A_187] : memref<1024x8xi32, #tpu.memory_space<vmem>>, vector<1x8xi32>
      tpu.vector_store %arg2[%swap3A_186, %swap3A_187], %broadcast_in_dim3A_185 {strides = array<i32>} : memref<1024x8xi32, #tpu.memory_space<vmem>>, vector<1x8xi32>,
      %broadcast_in_dim3A_189 = vector.shape_cast %reduce_sum3A_170 : vector<4xf32> to vector<4x1x1xf32>
      %sub3A_190 = vector.broadcast %broadcast_in_dim3A_189 : vector<4x1x1xf32> to vector<4x128x128xf32>
      %sub3A_191 = arith.subf %get3A_4, %sub3A_190 : vector<4x128x128xf32>
      %broadcast_in_dim3A_192 = vector.shape_cast %reduce_sum3A_175 : vector<4xf32> to vector<4x1x1xf32>
      %sub3A_193 = vector.broadcast %broadcast_in_dim3A_192 : vector<4x1x1xf32> to vector<4x128x128xf32>
      %sub3A_194 = arith.subf %get3A_10, %sub3A_193 : vector<4x128x128xf32>
      %broadcast_in_dim3A_195 = vector.shape_cast %reduce_sum3A_180 : vector<4xf32> to vector<4x1x1xf32>
      %sub3A_196 = vector.broadcast %broadcast_in_dim3A_195 : vector<4x1x1xf32> to vector<4x128x128xf32>
      %sub3A_197 = arith.subf %get3A_16, %sub3A_196 : vector<4x128x128xf32>
      %mul3A_198 = arith.mulf %sub3A_191, %sub3A_191 : vector<4x128x128xf32>
      %mul3A_199 = arith.mulf %sub3A_194, %sub3A_194 : vector<4x128x128xf32>
      %add3A_200 = arith.addf %mul3A_198, %mul3A_199 : vector<4x128x128xf32>
      %mul3A_201 = arith.mulf %sub3A_197, %sub3A_197 : vector<4x128x128xf32>
      %add3A_202 = arith.addf %add3A_200, %mul3A_201 : vector<4x128x128xf32>
      %min3A_203 = arith.minimumf %min3A_149, %add3A_202 : vector<4x128x128xf32>
      %reduce_max3A_204 = arith.constant dense<0xFF800000> : vector<4xf32>
      %reduce_max3A_205 = vector.multi_reduction <maximumf>, %min3A_203, %reduce_max3A_204 [1, 2] : vector<4x128x128xf32> to vector<4xf32>
      %broadcast_in_dim3A_206 = vector.shape_cast %reduce_max3A_205 : vector<4xf32> to vector<4x1x1xf32>
      %eq3A_207 = vector.broadcast %broadcast_in_dim3A_206 : vector<4x1x1xf32> to vector<4x128x128xf32>
      %eq3A_208 = arith.cmpf oeq, %min3A_203, %eq3A_207 : vector<4x128x128xf32>
      %broadcast_in_dim3A_209 = vector.broadcast %scan3A : i32 to vector<4x128x128xi32>
      %select_n3A_210 = arith.select %eq3A_208, %add3A, %broadcast_in_dim3A_209 : vector<4x128x128xi1>, vector<4x128x128xi32>
      %reduce_min3A_211 = arith.constant dense<2147483647> : vector<4xi32>
      %reduce_min3A_212 = vector.multi_reduction <minsi>, %select_n3A_210, %reduce_min3A_211 [1, 2] : vector<4x128x128xi32> to vector<4xi32>
      %mul3A_213 = arith.constant 8 : i32
      %mul3A_214 = arith.muli %mul3A_213, %scan3A_55 : i32
      %add3A_215 = arith.constant 3 : i32
      %add3A_216 = arith.addi %mul3A_214, %add3A_215 : i32
      %broadcast_in_dim3A_217 = vector.shape_cast %reduce_min3A_212 : vector<4xi32> to vector<4x1x1xi32>
      %eq3A_218 = vector.broadcast %broadcast_in_dim3A_217 : vector<4x1x1xi32> to vector<4x128x128xi32>
      %eq3A_219 = arith.cmpi eq, %add3A, %eq3A_218 : vector<4x128x128xi32>
      %jit3A_220 = arith.constant 0.000000e+00 : f32
      %broadcast_in_dim3A_221 = vector.broadcast %jit3A_220 : f32 to vector<4x128x128xf32>
      %select_n3A_222 = arith.select %eq3A_219, %get3A_4, %broadcast_in_dim3A_221 : vector<4x128x128xi1>, vector<4x128x128xf32>
      %reduce_sum3A_223 = arith.constant dense<0.000000e+00> : vector<4xf32>
      %reduce_sum3A_224 = vector.multi_reduction <add>, %select_n3A_222, %reduce_sum3A_223 [1, 2] : vector<4x128x128xf32> to vector<4xf32>
      %jit3A_225 = arith.constant 0.000000e+00 : f32
      %broadcast_in_dim3A_226 = vector.broadcast %jit3A_225 : f32 to vector<4x128x128xf32>
      %select_n3A_227 = arith.select %eq3A_219, %get3A_10, %broadcast_in_dim3A_226 : vector<4x128x128xi1>, vector<4x128x128xf32>
      %reduce_sum3A_228 = arith.constant dense<0.000000e+00> : vector<4xf32>
      %reduce_sum3A_229 = vector.multi_reduction <add>, %select_n3A_227, %reduce_sum3A_228 [1, 2] : vector<4x128x128xf32> to vector<4xf32>
      %jit3A_230 = arith.constant 0.000000e+00 : f32
      %broadcast_in_dim3A_231 = vector.broadcast %jit3A_230 : f32 to vector<4x128x128xf32>
      %select_n3A_232 = arith.select %eq3A_219, %get3A_16, %broadcast_in_dim3A_231 : vector<4x128x128xi1>, vector<4x128x128xf32>
      %reduce_sum3A_233 = arith.constant dense<0.000000e+00> : vector<4xf32>
      %reduce_sum3A_234 = vector.multi_reduction <add>, %select_n3A_232, %reduce_sum3A_233 [1, 2] : vector<4x128x128xf32> to vector<4xf32>
      %add3A_235 = arith.addi %reduce_min3A_212, %mul3A_48 : vector<4xi32>
      %broadcast_in_dim3A_236 = arith.constant 0 : i32
      %broadcast_in_dim3A_237 = vector.broadcast %broadcast_in_dim3A_236 : i32 to vector<4xi32>
      %concatenate3A_238 = tpu.concatenate %add3A_235, %broadcast_in_dim3A_237 in 0 : vector<4xi32>, vector<4xi32> -> vector<8xi32>
      %broadcast_in_dim3A_239 = vector.shape_cast %concatenate3A_238 : vector<8xi32> to vector<1x8xi32>
      %swap3A_240 = arith.index_cast %add3A_216 : i32 to index
      %swap3A_241 = arith.constant 0 : index
      %swap3A_242 = vector.load %arg2[%swap3A_240, %swap3A_241] : memref<1024x8xi32, #tpu.memory_space<vmem>>, vector<1x8xi32>
      tpu.vector_store %arg2[%swap3A_240, %swap3A_241], %broadcast_in_dim3A_239 {strides = array<i32>} : memref<1024x8xi32, #tpu.memory_space<vmem>>, vector<1x8xi32>,
      %broadcast_in_dim3A_243 = vector.shape_cast %reduce_sum3A_224 : vector<4xf32> to vector<4x1x1xf32>
      %sub3A_244 = vector.broadcast %broadcast_in_dim3A_243 : vector<4x1x1xf32> to vector<4x128x128xf32>
      %sub3A_245 = arith.subf %get3A_4, %sub3A_244 : vector<4x128x128xf32>
      %broadcast_in_dim3A_246 = vector.shape_cast %reduce_sum3A_229 : vector<4xf32> to vector<4x1x1xf32>
      %sub3A_247 = vector.broadcast %broadcast_in_dim3A_246 : vector<4x1x1xf32> to vector<4x128x128xf32>
      %sub3A_248 = arith.subf %get3A_10, %sub3A_247 : vector<4x128x128xf32>
      %broadcast_in_dim3A_249 = vector.shape_cast %reduce_sum3A_234 : vector<4xf32> to vector<4x1x1xf32>
      %sub3A_250 = vector.broadcast %broadcast_in_dim3A_249 : vector<4x1x1xf32> to vector<4x128x128xf32>
      %sub3A_251 = arith.subf %get3A_16, %sub3A_250 : vector<4x128x128xf32>
      %mul3A_252 = arith.mulf %sub3A_245, %sub3A_245 : vector<4x128x128xf32>
      %mul3A_253 = arith.mulf %sub3A_248, %sub3A_248 : vector<4x128x128xf32>
      %add3A_254 = arith.addf %mul3A_252, %mul3A_253 : vector<4x128x128xf32>
      %mul3A_255 = arith.mulf %sub3A_251, %sub3A_251 : vector<4x128x128xf32>
      %add3A_256 = arith.addf %add3A_254, %mul3A_255 : vector<4x128x128xf32>
      %min3A_257 = arith.minimumf %min3A_203, %add3A_256 : vector<4x128x128xf32>
      %reduce_max3A_258 = arith.constant dense<0xFF800000> : vector<4xf32>
      %reduce_max3A_259 = vector.multi_reduction <maximumf>, %min3A_257, %reduce_max3A_258 [1, 2] : vector<4x128x128xf32> to vector<4xf32>
      %broadcast_in_dim3A_260 = vector.shape_cast %reduce_max3A_259 : vector<4xf32> to vector<4x1x1xf32>
      %eq3A_261 = vector.broadcast %broadcast_in_dim3A_260 : vector<4x1x1xf32> to vector<4x128x128xf32>
      %eq3A_262 = arith.cmpf oeq, %min3A_257, %eq3A_261 : vector<4x128x128xf32>
      %broadcast_in_dim3A_263 = vector.broadcast %scan3A : i32 to vector<4x128x128xi32>
      %select_n3A_264 = arith.select %eq3A_262, %add3A, %broadcast_in_dim3A_263 : vector<4x128x128xi1>, vector<4x128x128xi32>
      %reduce_min3A_265 = arith.constant dense<2147483647> : vector<4xi32>
      %reduce_min3A_266 = vector.multi_reduction <minsi>, %select_n3A_264, %reduce_min3A_265 [1, 2] : vector<4x128x128xi32> to vector<4xi32>
      %mul3A_267 = arith.constant 8 : i32
      %mul3A_268 = arith.muli %mul3A_267, %scan3A_55 : i32
      %add3A_269 = arith.constant 4 : i32
      %add3A_270 = arith.addi %mul3A_268, %add3A_269 : i32
      %broadcast_in_dim3A_271 = vector.shape_cast %reduce_min3A_266 : vector<4xi32> to vector<4x1x1xi32>
      %eq3A_272 = vector.broadcast %broadcast_in_dim3A_271 : vector<4x1x1xi32> to vector<4x128x128xi32>
      %eq3A_273 = arith.cmpi eq, %add3A, %eq3A_272 : vector<4x128x128xi32>
      %jit3A_274 = arith.constant 0.000000e+00 : f32
      %broadcast_in_dim3A_275 = vector.broadcast %jit3A_274 : f32 to vector<4x128x128xf32>
      %select_n3A_276 = arith.select %eq3A_273, %get3A_4, %broadcast_in_dim3A_275 : vector<4x128x128xi1>, vector<4x128x128xf32>
      %reduce_sum3A_277 = arith.constant dense<0.000000e+00> : vector<4xf32>
      %reduce_sum3A_278 = vector.multi_reduction <add>, %select_n3A_276, %reduce_sum3A_277 [1, 2] : vector<4x128x128xf32> to vector<4xf32>
      %jit3A_279 = arith.constant 0.000000e+00 : f32
      %broadcast_in_dim3A_280 = vector.broadcast %jit3A_279 : f32 to vector<4x128x128xf32>
      %select_n3A_281 = arith.select %eq3A_273, %get3A_10, %broadcast_in_dim3A_280 : vector<4x128x128xi1>, vector<4x128x128xf32>
      %reduce_sum3A_282 = arith.constant dense<0.000000e+00> : vector<4xf32>
      %reduce_sum3A_283 = vector.multi_reduction <add>, %select_n3A_281, %reduce_sum3A_282 [1, 2] : vector<4x128x128xf32> to vector<4xf32>
      %jit3A_284 = arith.constant 0.000000e+00 : f32
      %broadcast_in_dim3A_285 = vector.broadcast %jit3A_284 : f32 to vector<4x128x128xf32>
      %select_n3A_286 = arith.select %eq3A_273, %get3A_16, %broadcast_in_dim3A_285 : vector<4x128x128xi1>, vector<4x128x128xf32>
      %reduce_sum3A_287 = arith.constant dense<0.000000e+00> : vector<4xf32>
      %reduce_sum3A_288 = vector.multi_reduction <add>, %select_n3A_286, %reduce_sum3A_287 [1, 2] : vector<4x128x128xf32> to vector<4xf32>
      %add3A_289 = arith.addi %reduce_min3A_266, %mul3A_48 : vector<4xi32>
      %broadcast_in_dim3A_290 = arith.constant 0 : i32
      %broadcast_in_dim3A_291 = vector.broadcast %broadcast_in_dim3A_290 : i32 to vector<4xi32>
      %concatenate3A_292 = tpu.concatenate %add3A_289, %broadcast_in_dim3A_291 in 0 : vector<4xi32>, vector<4xi32> -> vector<8xi32>
      %broadcast_in_dim3A_293 = vector.shape_cast %concatenate3A_292 : vector<8xi32> to vector<1x8xi32>
      %swap3A_294 = arith.index_cast %add3A_270 : i32 to index
      %swap3A_295 = arith.constant 0 : index
      %swap3A_296 = vector.load %arg2[%swap3A_294, %swap3A_295] : memref<1024x8xi32, #tpu.memory_space<vmem>>, vector<1x8xi32>
      tpu.vector_store %arg2[%swap3A_294, %swap3A_295], %broadcast_in_dim3A_293 {strides = array<i32>} : memref<1024x8xi32, #tpu.memory_space<vmem>>, vector<1x8xi32>,
      %broadcast_in_dim3A_297 = vector.shape_cast %reduce_sum3A_278 : vector<4xf32> to vector<4x1x1xf32>
      %sub3A_298 = vector.broadcast %broadcast_in_dim3A_297 : vector<4x1x1xf32> to vector<4x128x128xf32>
      %sub3A_299 = arith.subf %get3A_4, %sub3A_298 : vector<4x128x128xf32>
      %broadcast_in_dim3A_300 = vector.shape_cast %reduce_sum3A_283 : vector<4xf32> to vector<4x1x1xf32>
      %sub3A_301 = vector.broadcast %broadcast_in_dim3A_300 : vector<4x1x1xf32> to vector<4x128x128xf32>
      %sub3A_302 = arith.subf %get3A_10, %sub3A_301 : vector<4x128x128xf32>
      %broadcast_in_dim3A_303 = vector.shape_cast %reduce_sum3A_288 : vector<4xf32> to vector<4x1x1xf32>
      %sub3A_304 = vector.broadcast %broadcast_in_dim3A_303 : vector<4x1x1xf32> to vector<4x128x128xf32>
      %sub3A_305 = arith.subf %get3A_16, %sub3A_304 : vector<4x128x128xf32>
      %mul3A_306 = arith.mulf %sub3A_299, %sub3A_299 : vector<4x128x128xf32>
      %mul3A_307 = arith.mulf %sub3A_302, %sub3A_302 : vector<4x128x128xf32>
      %add3A_308 = arith.addf %mul3A_306, %mul3A_307 : vector<4x128x128xf32>
      %mul3A_309 = arith.mulf %sub3A_305, %sub3A_305 : vector<4x128x128xf32>
      %add3A_310 = arith.addf %add3A_308, %mul3A_309 : vector<4x128x128xf32>
      %min3A_311 = arith.minimumf %min3A_257, %add3A_310 : vector<4x128x128xf32>
      %reduce_max3A_312 = arith.constant dense<0xFF800000> : vector<4xf32>
      %reduce_max3A_313 = vector.multi_reduction <maximumf>, %min3A_311, %reduce_max3A_312 [1, 2] : vector<4x128x128xf32> to vector<4xf32>
      %broadcast_in_dim3A_314 = vector.shape_cast %reduce_max3A_313 : vector<4xf32> to vector<4x1x1xf32>
      %eq3A_315 = vector.broadcast %broadcast_in_dim3A_314 : vector<4x1x1xf32> to vector<4x128x128xf32>
      %eq3A_316 = arith.cmpf oeq, %min3A_311, %eq3A_315 : vector<4x128x128xf32>
      %broadcast_in_dim3A_317 = vector.broadcast %scan3A : i32 to vector<4x128x128xi32>
      %select_n3A_318 = arith.select %eq3A_316, %add3A, %broadcast_in_dim3A_317 : vector<4x128x128xi1>, vector<4x128x128xi32>
      %reduce_min3A_319 = arith.constant dense<2147483647> : vector<4xi32>
      %reduce_min3A_320 = vector.multi_reduction <minsi>, %select_n3A_318, %reduce_min3A_319 [1, 2] : vector<4x128x128xi32> to vector<4xi32>
      %mul3A_321 = arith.constant 8 : i32
      %mul3A_322 = arith.muli %mul3A_321, %scan3A_55 : i32
      %add3A_323 = arith.constant 5 : i32
      %add3A_324 = arith.addi %mul3A_322, %add3A_323 : i32
      %broadcast_in_dim3A_325 = vector.shape_cast %reduce_min3A_320 : vector<4xi32> to vector<4x1x1xi32>
      %eq3A_326 = vector.broadcast %broadcast_in_dim3A_325 : vector<4x1x1xi32> to vector<4x128x128xi32>
      %eq3A_327 = arith.cmpi eq, %add3A, %eq3A_326 : vector<4x128x128xi32>
      %jit3A_328 = arith.constant 0.000000e+00 : f32
      %broadcast_in_dim3A_329 = vector.broadcast %jit3A_328 : f32 to vector<4x128x128xf32>
      %select_n3A_330 = arith.select %eq3A_327, %get3A_4, %broadcast_in_dim3A_329 : vector<4x128x128xi1>, vector<4x128x128xf32>
      %reduce_sum3A_331 = arith.constant dense<0.000000e+00> : vector<4xf32>
      %reduce_sum3A_332 = vector.multi_reduction <add>, %select_n3A_330, %reduce_sum3A_331 [1, 2] : vector<4x128x128xf32> to vector<4xf32>
      %jit3A_333 = arith.constant 0.000000e+00 : f32
      %broadcast_in_dim3A_334 = vector.broadcast %jit3A_333 : f32 to vector<4x128x128xf32>
      %select_n3A_335 = arith.select %eq3A_327, %get3A_10, %broadcast_in_dim3A_334 : vector<4x128x128xi1>, vector<4x128x128xf32>
      %reduce_sum3A_336 = arith.constant dense<0.000000e+00> : vector<4xf32>
      %reduce_sum3A_337 = vector.multi_reduction <add>, %select_n3A_335, %reduce_sum3A_336 [1, 2] : vector<4x128x128xf32> to vector<4xf32>
      %jit3A_338 = arith.constant 0.000000e+00 : f32
      %broadcast_in_dim3A_339 = vector.broadcast %jit3A_338 : f32 to vector<4x128x128xf32>
      %select_n3A_340 = arith.select %eq3A_327, %get3A_16, %broadcast_in_dim3A_339 : vector<4x128x128xi1>, vector<4x128x128xf32>
      %reduce_sum3A_341 = arith.constant dense<0.000000e+00> : vector<4xf32>
      %reduce_sum3A_342 = vector.multi_reduction <add>, %select_n3A_340, %reduce_sum3A_341 [1, 2] : vector<4x128x128xf32> to vector<4xf32>
      %add3A_343 = arith.addi %reduce_min3A_320, %mul3A_48 : vector<4xi32>
      %broadcast_in_dim3A_344 = arith.constant 0 : i32
      %broadcast_in_dim3A_345 = vector.broadcast %broadcast_in_dim3A_344 : i32 to vector<4xi32>
      %concatenate3A_346 = tpu.concatenate %add3A_343, %broadcast_in_dim3A_345 in 0 : vector<4xi32>, vector<4xi32> -> vector<8xi32>
      %broadcast_in_dim3A_347 = vector.shape_cast %concatenate3A_346 : vector<8xi32> to vector<1x8xi32>
      %swap3A_348 = arith.index_cast %add3A_324 : i32 to index
      %swap3A_349 = arith.constant 0 : index
      %swap3A_350 = vector.load %arg2[%swap3A_348, %swap3A_349] : memref<1024x8xi32, #tpu.memory_space<vmem>>, vector<1x8xi32>
      tpu.vector_store %arg2[%swap3A_348, %swap3A_349], %broadcast_in_dim3A_347 {strides = array<i32>} : memref<1024x8xi32, #tpu.memory_space<vmem>>, vector<1x8xi32>,
      %broadcast_in_dim3A_351 = vector.shape_cast %reduce_sum3A_332 : vector<4xf32> to vector<4x1x1xf32>
      %sub3A_352 = vector.broadcast %broadcast_in_dim3A_351 : vector<4x1x1xf32> to vector<4x128x128xf32>
      %sub3A_353 = arith.subf %get3A_4, %sub3A_352 : vector<4x128x128xf32>
      %broadcast_in_dim3A_354 = vector.shape_cast %reduce_sum3A_337 : vector<4xf32> to vector<4x1x1xf32>
      %sub3A_355 = vector.broadcast %broadcast_in_dim3A_354 : vector<4x1x1xf32> to vector<4x128x128xf32>
      %sub3A_356 = arith.subf %get3A_10, %sub3A_355 : vector<4x128x128xf32>
      %broadcast_in_dim3A_357 = vector.shape_cast %reduce_sum3A_342 : vector<4xf32> to vector<4x1x1xf32>
      %sub3A_358 = vector.broadcast %broadcast_in_dim3A_357 : vector<4x1x1xf32> to vector<4x128x128xf32>
      %sub3A_359 = arith.subf %get3A_16, %sub3A_358 : vector<4x128x128xf32>
      %mul3A_360 = arith.mulf %sub3A_353, %sub3A_353 : vector<4x128x128xf32>
      %mul3A_361 = arith.mulf %sub3A_356, %sub3A_356 : vector<4x128x128xf32>
      %add3A_362 = arith.addf %mul3A_360, %mul3A_361 : vector<4x128x128xf32>
      %mul3A_363 = arith.mulf %sub3A_359, %sub3A_359 : vector<4x128x128xf32>
      %add3A_364 = arith.addf %add3A_362, %mul3A_363 : vector<4x128x128xf32>
      %min3A_365 = arith.minimumf %min3A_311, %add3A_364 : vector<4x128x128xf32>
      %reduce_max3A_366 = arith.constant dense<0xFF800000> : vector<4xf32>
      %reduce_max3A_367 = vector.multi_reduction <maximumf>, %min3A_365, %reduce_max3A_366 [1, 2] : vector<4x128x128xf32> to vector<4xf32>
      %broadcast_in_dim3A_368 = vector.shape_cast %reduce_max3A_367 : vector<4xf32> to vector<4x1x1xf32>
      %eq3A_369 = vector.broadcast %broadcast_in_dim3A_368 : vector<4x1x1xf32> to vector<4x128x128xf32>
      %eq3A_370 = arith.cmpf oeq, %min3A_365, %eq3A_369 : vector<4x128x128xf32>
      %broadcast_in_dim3A_371 = vector.broadcast %scan3A : i32 to vector<4x128x128xi32>
      %select_n3A_372 = arith.select %eq3A_370, %add3A, %broadcast_in_dim3A_371 : vector<4x128x128xi1>, vector<4x128x128xi32>
      %reduce_min3A_373 = arith.constant dense<2147483647> : vector<4xi32>
      %reduce_min3A_374 = vector.multi_reduction <minsi>, %select_n3A_372, %reduce_min3A_373 [1, 2] : vector<4x128x128xi32> to vector<4xi32>
      %mul3A_375 = arith.constant 8 : i32
      %mul3A_376 = arith.muli %mul3A_375, %scan3A_55 : i32
      %add3A_377 = arith.constant 6 : i32
      %add3A_378 = arith.addi %mul3A_376, %add3A_377 : i32
      %broadcast_in_dim3A_379 = vector.shape_cast %reduce_min3A_374 : vector<4xi32> to vector<4x1x1xi32>
      %eq3A_380 = vector.broadcast %broadcast_in_dim3A_379 : vector<4x1x1xi32> to vector<4x128x128xi32>
      %eq3A_381 = arith.cmpi eq, %add3A, %eq3A_380 : vector<4x128x128xi32>
      %jit3A_382 = arith.constant 0.000000e+00 : f32
      %broadcast_in_dim3A_383 = vector.broadcast %jit3A_382 : f32 to vector<4x128x128xf32>
      %select_n3A_384 = arith.select %eq3A_381, %get3A_4, %broadcast_in_dim3A_383 : vector<4x128x128xi1>, vector<4x128x128xf32>
      %reduce_sum3A_385 = arith.constant dense<0.000000e+00> : vector<4xf32>
      %reduce_sum3A_386 = vector.multi_reduction <add>, %select_n3A_384, %reduce_sum3A_385 [1, 2] : vector<4x128x128xf32> to vector<4xf32>
      %jit3A_387 = arith.constant 0.000000e+00 : f32
      %broadcast_in_dim3A_388 = vector.broadcast %jit3A_387 : f32 to vector<4x128x128xf32>
      %select_n3A_389 = arith.select %eq3A_381, %get3A_10, %broadcast_in_dim3A_388 : vector<4x128x128xi1>, vector<4x128x128xf32>
      %reduce_sum3A_390 = arith.constant dense<0.000000e+00> : vector<4xf32>
      %reduce_sum3A_391 = vector.multi_reduction <add>, %select_n3A_389, %reduce_sum3A_390 [1, 2] : vector<4x128x128xf32> to vector<4xf32>
      %jit3A_392 = arith.constant 0.000000e+00 : f32
      %broadcast_in_dim3A_393 = vector.broadcast %jit3A_392 : f32 to vector<4x128x128xf32>
      %select_n3A_394 = arith.select %eq3A_381, %get3A_16, %broadcast_in_dim3A_393 : vector<4x128x128xi1>, vector<4x128x128xf32>
      %reduce_sum3A_395 = arith.constant dense<0.000000e+00> : vector<4xf32>
      %reduce_sum3A_396 = vector.multi_reduction <add>, %select_n3A_394, %reduce_sum3A_395 [1, 2] : vector<4x128x128xf32> to vector<4xf32>
      %add3A_397 = arith.addi %reduce_min3A_374, %mul3A_48 : vector<4xi32>
      %broadcast_in_dim3A_398 = arith.constant 0 : i32
      %broadcast_in_dim3A_399 = vector.broadcast %broadcast_in_dim3A_398 : i32 to vector<4xi32>
      %concatenate3A_400 = tpu.concatenate %add3A_397, %broadcast_in_dim3A_399 in 0 : vector<4xi32>, vector<4xi32> -> vector<8xi32>
      %broadcast_in_dim3A_401 = vector.shape_cast %concatenate3A_400 : vector<8xi32> to vector<1x8xi32>
      %swap3A_402 = arith.index_cast %add3A_378 : i32 to index
      %swap3A_403 = arith.constant 0 : index
      %swap3A_404 = vector.load %arg2[%swap3A_402, %swap3A_403] : memref<1024x8xi32, #tpu.memory_space<vmem>>, vector<1x8xi32>
      tpu.vector_store %arg2[%swap3A_402, %swap3A_403], %broadcast_in_dim3A_401 {strides = array<i32>} : memref<1024x8xi32, #tpu.memory_space<vmem>>, vector<1x8xi32>,
      %broadcast_in_dim3A_405 = vector.shape_cast %reduce_sum3A_386 : vector<4xf32> to vector<4x1x1xf32>
      %sub3A_406 = vector.broadcast %broadcast_in_dim3A_405 : vector<4x1x1xf32> to vector<4x128x128xf32>
      %sub3A_407 = arith.subf %get3A_4, %sub3A_406 : vector<4x128x128xf32>
      %broadcast_in_dim3A_408 = vector.shape_cast %reduce_sum3A_391 : vector<4xf32> to vector<4x1x1xf32>
      %sub3A_409 = vector.broadcast %broadcast_in_dim3A_408 : vector<4x1x1xf32> to vector<4x128x128xf32>
      %sub3A_410 = arith.subf %get3A_10, %sub3A_409 : vector<4x128x128xf32>
      %broadcast_in_dim3A_411 = vector.shape_cast %reduce_sum3A_396 : vector<4xf32> to vector<4x1x1xf32>
      %sub3A_412 = vector.broadcast %broadcast_in_dim3A_411 : vector<4x1x1xf32> to vector<4x128x128xf32>
      %sub3A_413 = arith.subf %get3A_16, %sub3A_412 : vector<4x128x128xf32>
      %mul3A_414 = arith.mulf %sub3A_407, %sub3A_407 : vector<4x128x128xf32>
      %mul3A_415 = arith.mulf %sub3A_410, %sub3A_410 : vector<4x128x128xf32>
      %add3A_416 = arith.addf %mul3A_414, %mul3A_415 : vector<4x128x128xf32>
      %mul3A_417 = arith.mulf %sub3A_413, %sub3A_413 : vector<4x128x128xf32>
      %add3A_418 = arith.addf %add3A_416, %mul3A_417 : vector<4x128x128xf32>
      %min3A_419 = arith.minimumf %min3A_365, %add3A_418 : vector<4x128x128xf32>
      %reduce_max3A_420 = arith.constant dense<0xFF800000> : vector<4xf32>
      %reduce_max3A_421 = vector.multi_reduction <maximumf>, %min3A_419, %reduce_max3A_420 [1, 2] : vector<4x128x128xf32> to vector<4xf32>
      %broadcast_in_dim3A_422 = vector.shape_cast %reduce_max3A_421 : vector<4xf32> to vector<4x1x1xf32>
      %eq3A_423 = vector.broadcast %broadcast_in_dim3A_422 : vector<4x1x1xf32> to vector<4x128x128xf32>
      %eq3A_424 = arith.cmpf oeq, %min3A_419, %eq3A_423 : vector<4x128x128xf32>
      %broadcast_in_dim3A_425 = vector.broadcast %scan3A : i32 to vector<4x128x128xi32>
      %select_n3A_426 = arith.select %eq3A_424, %add3A, %broadcast_in_dim3A_425 : vector<4x128x128xi1>, vector<4x128x128xi32>
      %reduce_min3A_427 = arith.constant dense<2147483647> : vector<4xi32>
      %reduce_min3A_428 = vector.multi_reduction <minsi>, %select_n3A_426, %reduce_min3A_427 [1, 2] : vector<4x128x128xi32> to vector<4xi32>
      %mul3A_429 = arith.constant 8 : i32
      %mul3A_430 = arith.muli %mul3A_429, %scan3A_55 : i32
      %add3A_431 = arith.constant 7 : i32
      %add3A_432 = arith.addi %mul3A_430, %add3A_431 : i32
      %broadcast_in_dim3A_433 = vector.shape_cast %reduce_min3A_428 : vector<4xi32> to vector<4x1x1xi32>
      %eq3A_434 = vector.broadcast %broadcast_in_dim3A_433 : vector<4x1x1xi32> to vector<4x128x128xi32>
      %eq3A_435 = arith.cmpi eq, %add3A, %eq3A_434 : vector<4x128x128xi32>
      %jit3A_436 = arith.constant 0.000000e+00 : f32
      %broadcast_in_dim3A_437 = vector.broadcast %jit3A_436 : f32 to vector<4x128x128xf32>
      %select_n3A_438 = arith.select %eq3A_435, %get3A_4, %broadcast_in_dim3A_437 : vector<4x128x128xi1>, vector<4x128x128xf32>
      %reduce_sum3A_439 = arith.constant dense<0.000000e+00> : vector<4xf32>
      %reduce_sum3A_440 = vector.multi_reduction <add>, %select_n3A_438, %reduce_sum3A_439 [1, 2] : vector<4x128x128xf32> to vector<4xf32>
      %jit3A_441 = arith.constant 0.000000e+00 : f32
      %broadcast_in_dim3A_442 = vector.broadcast %jit3A_441 : f32 to vector<4x128x128xf32>
      %select_n3A_443 = arith.select %eq3A_435, %get3A_10, %broadcast_in_dim3A_442 : vector<4x128x128xi1>, vector<4x128x128xf32>
      %reduce_sum3A_444 = arith.constant dense<0.000000e+00> : vector<4xf32>
      %reduce_sum3A_445 = vector.multi_reduction <add>, %select_n3A_443, %reduce_sum3A_444 [1, 2] : vector<4x128x128xf32> to vector<4xf32>
      %jit3A_446 = arith.constant 0.000000e+00 : f32
      %broadcast_in_dim3A_447 = vector.broadcast %jit3A_446 : f32 to vector<4x128x128xf32>
      %select_n3A_448 = arith.select %eq3A_435, %get3A_16, %broadcast_in_dim3A_447 : vector<4x128x128xi1>, vector<4x128x128xf32>
      %reduce_sum3A_449 = arith.constant dense<0.000000e+00> : vector<4xf32>
      %reduce_sum3A_450 = vector.multi_reduction <add>, %select_n3A_448, %reduce_sum3A_449 [1, 2] : vector<4x128x128xf32> to vector<4xf32>
      %add3A_451 = arith.addi %reduce_min3A_428, %mul3A_48 : vector<4xi32>
      %broadcast_in_dim3A_452 = arith.constant 0 : i32
      %broadcast_in_dim3A_453 = vector.broadcast %broadcast_in_dim3A_452 : i32 to vector<4xi32>
      %concatenate3A_454 = tpu.concatenate %add3A_451, %broadcast_in_dim3A_453 in 0 : vector<4xi32>, vector<4xi32> -> vector<8xi32>
      %broadcast_in_dim3A_455 = vector.shape_cast %concatenate3A_454 : vector<8xi32> to vector<1x8xi32>
      %swap3A_456 = arith.index_cast %add3A_432 : i32 to index
      %swap3A_457 = arith.constant 0 : index
      %swap3A_458 = vector.load %arg2[%swap3A_456, %swap3A_457] : memref<1024x8xi32, #tpu.memory_space<vmem>>, vector<1x8xi32>
      tpu.vector_store %arg2[%swap3A_456, %swap3A_457], %broadcast_in_dim3A_455 {strides = array<i32>} : memref<1024x8xi32, #tpu.memory_space<vmem>>, vector<1x8xi32>,
      %broadcast_in_dim3A_459 = vector.shape_cast %reduce_sum3A_440 : vector<4xf32> to vector<4x1x1xf32>
      %sub3A_460 = vector.broadcast %broadcast_in_dim3A_459 : vector<4x1x1xf32> to vector<4x128x128xf32>
      %sub3A_461 = arith.subf %get3A_4, %sub3A_460 : vector<4x128x128xf32>
      %broadcast_in_dim3A_462 = vector.shape_cast %reduce_sum3A_445 : vector<4xf32> to vector<4x1x1xf32>
      %sub3A_463 = vector.broadcast %broadcast_in_dim3A_462 : vector<4x1x1xf32> to vector<4x128x128xf32>
      %sub3A_464 = arith.subf %get3A_10, %sub3A_463 : vector<4x128x128xf32>
      %broadcast_in_dim3A_465 = vector.shape_cast %reduce_sum3A_450 : vector<4xf32> to vector<4x1x1xf32>
      %sub3A_466 = vector.broadcast %broadcast_in_dim3A_465 : vector<4x1x1xf32> to vector<4x128x128xf32>
      %sub3A_467 = arith.subf %get3A_16, %sub3A_466 : vector<4x128x128xf32>
      %mul3A_468 = arith.mulf %sub3A_461, %sub3A_461 : vector<4x128x128xf32>
      %mul3A_469 = arith.mulf %sub3A_464, %sub3A_464 : vector<4x128x128xf32>
      %add3A_470 = arith.addf %mul3A_468, %mul3A_469 : vector<4x128x128xf32>
      %mul3A_471 = arith.mulf %sub3A_467, %sub3A_467 : vector<4x128x128xf32>
      %add3A_472 = arith.addf %add3A_470, %mul3A_471 : vector<4x128x128xf32>
      %min3A_473 = arith.minimumf %min3A_419, %add3A_472 : vector<4x128x128xf32>
      %reduce_max3A_474 = arith.constant dense<0xFF800000> : vector<4xf32>
      %reduce_max3A_475 = vector.multi_reduction <maximumf>, %min3A_473, %reduce_max3A_474 [1, 2] : vector<4x128x128xf32> to vector<4xf32>
      %broadcast_in_dim3A_476 = vector.shape_cast %reduce_max3A_475 : vector<4xf32> to vector<4x1x1xf32>
      %eq3A_477 = vector.broadcast %broadcast_in_dim3A_476 : vector<4x1x1xf32> to vector<4x128x128xf32>
      %eq3A_478 = arith.cmpf oeq, %min3A_473, %eq3A_477 : vector<4x128x128xf32>
      %broadcast_in_dim3A_479 = vector.broadcast %scan3A : i32 to vector<4x128x128xi32>
      %select_n3A_480 = arith.select %eq3A_478, %add3A, %broadcast_in_dim3A_479 : vector<4x128x128xi1>, vector<4x128x128xi32>
      %reduce_min3A_481 = arith.constant dense<2147483647> : vector<4xi32>
      %reduce_min3A_482 = vector.multi_reduction <minsi>, %select_n3A_480, %reduce_min3A_481 [1, 2] : vector<4x128x128xi32> to vector<4xi32>
      scf.yield %min3A_473, %reduce_min3A_482 : vector<4x128x128xf32>, vector<4xi32>
    }
    %scan3A_54 = arith.constant 128 : i32
    return
  }
}

module attributes {stable_mosaic.version = 14 : i64} {
  func.func @_view_kernel(%arg0: i32, %arg1: memref<1x256x1024xf32, #tpu.memory_space<vmem>>, %arg2: memref<256x256xf32, #tpu.memory_space<vmem>>, %arg3: memref<256x1xf32, #tpu.memory_space<vmem>>, %arg4: memref<256x1xf32, #tpu.memory_space<vmem>>, %arg5: memref<256x1xf32, #tpu.memory_space<vmem>>, %arg6: memref<256x1xf32, #tpu.memory_space<vmem>>, %arg7: memref<256x1xf32, #tpu.memory_space<vmem>>, %arg8: memref<384x256xf32, #tpu.memory_space<vmem>>, %arg9: memref<384x1xf32, #tpu.memory_space<vmem>>, %arg10: memref<384x1xf32, #tpu.memory_space<vmem>>, %arg11: memref<384x1xf32, #tpu.memory_space<vmem>>, %arg12: memref<384x1xf32, #tpu.memory_space<vmem>>, %arg13: memref<384x1xf32, #tpu.memory_space<vmem>>, %arg14: memref<384x384xf32, #tpu.memory_space<vmem>>, %arg15: memref<384x1xf32, #tpu.memory_space<vmem>>, %arg16: memref<384x1xf32, #tpu.memory_space<vmem>>, %arg17: memref<384x1xf32, #tpu.memory_space<vmem>>, %arg18: memref<384x1xf32, #tpu.memory_space<vmem>>, %arg19: memref<1x384x1024xf32, #tpu.memory_space<vmem>>, %arg20: memref<1x1x1024xf32, #tpu.memory_space<vmem>>, %arg21: memref<1x3x1024xf32, #tpu.memory_space<vmem>>, %arg22: memref<1x9x1024xf32, #tpu.memory_space<vmem>>) attributes {dimension_semantics = [#tpu.dimension_semantics<arbitrary>], iteration_bounds = array<i64: 4>, scalar_prefetch = 0 : i64, scratch_operands = 0 : i64, tpu.core_type = #tpu.core_type<tc>, window_params = [{transform_indices = @transform_0, window_bounds = array<i64: 1, 256, 1024>}, {pipeline_mode = #tpu.pipeline_mode<synchronous>, transform_indices = @transform_1, window_bounds = array<i64: 256, 256>}, {pipeline_mode = #tpu.pipeline_mode<synchronous>, transform_indices = @transform_2, window_bounds = array<i64: 256, 1>}, {pipeline_mode = #tpu.pipeline_mode<synchronous>, transform_indices = @transform_3, window_bounds = array<i64: 256, 1>}, {pipeline_mode = #tpu.pipeline_mode<synchronous>, transform_indices = @transform_4, window_bounds = array<i64: 256, 1>}, {pipeline_mode = #tpu.pipeline_mode<synchronous>, transform_indices = @transform_5, window_bounds = array<i64: 256, 1>}, {pipeline_mode = #tpu.pipeline_mode<synchronous>, transform_indices = @transform_6, window_bounds = array<i64: 256, 1>}, {pipeline_mode = #tpu.pipeline_mode<synchronous>, transform_indices = @transform_7, window_bounds = array<i64: 384, 256>}, {pipeline_mode = #tpu.pipeline_mode<synchronous>, transform_indices = @transform_8, window_bounds = array<i64: 384, 1>}, {pipeline_mode = #tpu.pipeline_mode<synchronous>, transform_indices = @transform_9, window_bounds = array<i64: 384, 1>}, {pipeline_mode = #tpu.pipeline_mode<synchronous>, transform_indices = @transform_10, window_bounds = array<i64: 384, 1>}, {pipeline_mode = #tpu.pipeline_mode<synchronous>, transform_indices = @transform_11, window_bounds = array<i64: 384, 1>}, {pipeline_mode = #tpu.pipeline_mode<synchronous>, transform_indices = @transform_12, window_bounds = array<i64: 384, 1>}, {pipeline_mode = #tpu.pipeline_mode<synchronous>, transform_indices = @transform_13, window_bounds = array<i64: 384, 384>}, {pipeline_mode = #tpu.pipeline_mode<synchronous>, transform_indices = @transform_14, window_bounds = array<i64: 384, 1>}, {pipeline_mode = #tpu.pipeline_mode<synchronous>, transform_indices = @transform_15, window_bounds = array<i64: 384, 1>}, {pipeline_mode = #tpu.pipeline_mode<synchronous>, transform_indices = @transform_16, window_bounds = array<i64: 384, 1>}, {pipeline_mode = #tpu.pipeline_mode<synchronous>, transform_indices = @transform_17, window_bounds = array<i64: 384, 1>}, {transform_indices = @transform_18, window_bounds = array<i64: 1, 384, 1024>}, {transform_indices = @transform_19, window_bounds = array<i64: 1, 1, 1024>}, {transform_indices = @transform_20, window_bounds = array<i64: 1, 3, 1024>}, {transform_indices = @transform_21, window_bounds = array<i64: 1, 9, 1024>}]} {
    %get3A = arith.constant 0 : index
    %get3A_0 = arith.constant 0 : index
    %get3A_1 = arith.constant 0 : index
    %get3A_2 = vector.load %arg1[%get3A, %get3A_0, %get3A_1] : memref<1x256x1024xf32, #tpu.memory_space<vmem>>, vector<1x256x1024xf32>
    %get3A_3 = vector.shape_cast %get3A_2 : vector<1x256x1024xf32> to vector<256x1024xf32>
    %get3A_4 = arith.constant 0 : index
    %get3A_5 = arith.constant 0 : index
    %get3A_6 = vector.load %arg2[%get3A_4, %get3A_5] : memref<256x256xf32, #tpu.memory_space<vmem>>, vector<256x256xf32>
    %dot_general3A = arith.constant dense<0.000000e+00> : vector<256x1024xf32>
    %dot_general3A_7 = tpu.matmul %get3A_6, %get3A_3, %dot_general3A {dimension_numbers = #tpu.dot_dimension_numbers<[1], [0], [0], [1], [0, 0, 1, 1], [], []>, transpose_lhs_hint = false} : vector<256x256xf32>, vector<256x1024xf32>, vector<256x1024xf32> -> vector<256x1024xf32>
    %get3A_8 = arith.constant 0 : index
    %get3A_9 = arith.constant 0 : index
    %get3A_10 = vector.load %arg3[%get3A_8, %get3A_9] : memref<256x1xf32, #tpu.memory_space<vmem>>, vector<256x1xf32>
    %add3A = vector.broadcast %get3A_10 : vector<256x1xf32> to vector<256x1024xf32>
    %add3A_11 = arith.addf %dot_general3A_7, %add3A : vector<256x1024xf32>
    %get3A_12 = arith.constant 0 : index
    %get3A_13 = arith.constant 0 : index
    %get3A_14 = vector.load %arg6[%get3A_12, %get3A_13] : memref<256x1xf32, #tpu.memory_space<vmem>>, vector<256x1xf32>
    %sub3A = vector.broadcast %get3A_14 : vector<256x1xf32> to vector<256x1024xf32>
    %sub3A_15 = arith.subf %add3A_11, %sub3A : vector<256x1024xf32>
    %get3A_16 = arith.constant 0 : index
    %get3A_17 = arith.constant 0 : index
    %get3A_18 = vector.load %arg7[%get3A_16, %get3A_17] : memref<256x1xf32, #tpu.memory_space<vmem>>, vector<256x1xf32>
    %add3A_19 = arith.constant 9.99999974E-6 : f32
    %add3A_20 = vector.broadcast %add3A_19 : f32 to vector<256x1xf32>
    %add3A_21 = arith.addf %get3A_18, %add3A_20 : vector<256x1xf32>
    %sqrt3A = math.sqrt %add3A_21 : vector<256x1xf32>
    %div3A = vector.broadcast %sqrt3A : vector<256x1xf32> to vector<256x1024xf32>
    %div3A_22 = arith.divf %sub3A_15, %div3A : vector<256x1024xf32>
    %get3A_23 = arith.constant 0 : index
    %get3A_24 = arith.constant 0 : index
    %get3A_25 = vector.load %arg4[%get3A_23, %get3A_24] : memref<256x1xf32, #tpu.memory_space<vmem>>, vector<256x1xf32>
    %mul3A = vector.broadcast %get3A_25 : vector<256x1xf32> to vector<256x1024xf32>
    %mul3A_26 = arith.mulf %div3A_22, %mul3A : vector<256x1024xf32>
    %get3A_27 = arith.constant 0 : index
    %get3A_28 = arith.constant 0 : index
    %get3A_29 = vector.load %arg5[%get3A_27, %get3A_28] : memref<256x1xf32, #tpu.memory_space<vmem>>, vector<256x1xf32>
    %add3A_30 = vector.broadcast %get3A_29 : vector<256x1xf32> to vector<256x1024xf32>
    %add3A_31 = arith.addf %mul3A_26, %add3A_30 : vector<256x1024xf32>
    %max3A = arith.constant 0.000000e+00 : f32
    %max3A_32 = vector.broadcast %max3A : f32 to vector<256x1024xf32>
    %max3A_33 = arith.maximumf %add3A_31, %max3A_32 : vector<256x1024xf32>
    %get3A_34 = arith.constant 0 : index
    %get3A_35 = arith.constant 0 : index
    %get3A_36 = vector.load %arg8[%get3A_34, %get3A_35] : memref<384x256xf32, #tpu.memory_space<vmem>>, vector<384x256xf32>
    %dot_general3A_37 = arith.constant dense<0.000000e+00> : vector<384x1024xf32>
    %dot_general3A_38 = tpu.matmul %get3A_36, %max3A_33, %dot_general3A_37 {dimension_numbers = #tpu.dot_dimension_numbers<[1], [0], [0], [1], [0, 0, 1, 1], [], []>, transpose_lhs_hint = false} : vector<384x256xf32>, vector<256x1024xf32>, vector<384x1024xf32> -> vector<384x1024xf32>
    %get3A_39 = arith.constant 0 : index
    %get3A_40 = arith.constant 0 : index
    %get3A_41 = vector.load %arg9[%get3A_39, %get3A_40] : memref<384x1xf32, #tpu.memory_space<vmem>>, vector<384x1xf32>
    %add3A_42 = vector.broadcast %get3A_41 : vector<384x1xf32> to vector<384x1024xf32>
    %add3A_43 = arith.addf %dot_general3A_38, %add3A_42 : vector<384x1024xf32>
    %get3A_44 = arith.constant 0 : index
    %get3A_45 = arith.constant 0 : index
    %get3A_46 = vector.load %arg12[%get3A_44, %get3A_45] : memref<384x1xf32, #tpu.memory_space<vmem>>, vector<384x1xf32>
    %sub3A_47 = vector.broadcast %get3A_46 : vector<384x1xf32> to vector<384x1024xf32>
    %sub3A_48 = arith.subf %add3A_43, %sub3A_47 : vector<384x1024xf32>
    %get3A_49 = arith.constant 0 : index
    %get3A_50 = arith.constant 0 : index
    %get3A_51 = vector.load %arg13[%get3A_49, %get3A_50] : memref<384x1xf32, #tpu.memory_space<vmem>>, vector<384x1xf32>
    %add3A_52 = arith.constant 9.99999974E-6 : f32
    %add3A_53 = vector.broadcast %add3A_52 : f32 to vector<384x1xf32>
    %add3A_54 = arith.addf %get3A_51, %add3A_53 : vector<384x1xf32>
    %sqrt3A_55 = math.sqrt %add3A_54 : vector<384x1xf32>
    %div3A_56 = vector.broadcast %sqrt3A_55 : vector<384x1xf32> to vector<384x1024xf32>
    %div3A_57 = arith.divf %sub3A_48, %div3A_56 : vector<384x1024xf32>
    %get3A_58 = arith.constant 0 : index
    %get3A_59 = arith.constant 0 : index
    %get3A_60 = vector.load %arg10[%get3A_58, %get3A_59] : memref<384x1xf32, #tpu.memory_space<vmem>>, vector<384x1xf32>
    %mul3A_61 = vector.broadcast %get3A_60 : vector<384x1xf32> to vector<384x1024xf32>
    %mul3A_62 = arith.mulf %div3A_57, %mul3A_61 : vector<384x1024xf32>
    %get3A_63 = arith.constant 0 : index
    %get3A_64 = arith.constant 0 : index
    %get3A_65 = vector.load %arg11[%get3A_63, %get3A_64] : memref<384x1xf32, #tpu.memory_space<vmem>>, vector<384x1xf32>
    %add3A_66 = vector.broadcast %get3A_65 : vector<384x1xf32> to vector<384x1024xf32>
    %add3A_67 = arith.addf %mul3A_62, %add3A_66 : vector<384x1024xf32>
    %max3A_68 = arith.constant 0.000000e+00 : f32
    %max3A_69 = vector.broadcast %max3A_68 : f32 to vector<384x1024xf32>
    %max3A_70 = arith.maximumf %add3A_67, %max3A_69 : vector<384x1024xf32>
    %get3A_71 = arith.constant 0 : index
    %get3A_72 = arith.constant 0 : index
    %get3A_73 = vector.load %arg14[%get3A_71, %get3A_72] : memref<384x384xf32, #tpu.memory_space<vmem>>, vector<384x384xf32>
    %dot_general3A_74 = arith.constant dense<0.000000e+00> : vector<384x1024xf32>
    %dot_general3A_75 = tpu.matmul %get3A_73, %max3A_70, %dot_general3A_74 {dimension_numbers = #tpu.dot_dimension_numbers<[1], [0], [0], [1], [0, 0, 1, 1], [], []>, transpose_lhs_hint = false} : vector<384x384xf32>, vector<384x1024xf32>, vector<384x1024xf32> -> vector<384x1024xf32>
    %get3A_76 = arith.constant 0 : index
    %get3A_77 = arith.constant 0 : index
    %get3A_78 = vector.load %arg15[%get3A_76, %get3A_77] : memref<384x1xf32, #tpu.memory_space<vmem>>, vector<384x1xf32>
    %add3A_79 = vector.broadcast %get3A_78 : vector<384x1xf32> to vector<384x1024xf32>
    %add3A_80 = arith.addf %dot_general3A_75, %add3A_79 : vector<384x1024xf32>
    %swap3A = arith.constant 0 : index
    %swap3A_81 = arith.constant 0 : index
    %swap3A_82 = arith.constant 0 : index
    %swap3A_83 = vector.load %arg19[%swap3A, %swap3A_81, %swap3A_82] : memref<1x384x1024xf32, #tpu.memory_space<vmem>>, vector<1x384x1024xf32>
    %swap3A_84 = vector.shape_cast %swap3A_83 : vector<1x384x1024xf32> to vector<384x1024xf32>
    %swap3A_85 = vector.shape_cast %add3A_80 : vector<384x1024xf32> to vector<1x384x1024xf32>
    tpu.vector_store %arg19[%swap3A, %swap3A_81, %swap3A_82], %swap3A_85 {strides = array<i32>} : memref<1x384x1024xf32, #tpu.memory_space<vmem>>, vector<1x384x1024xf32>,
    %iota3A = tpu.iota {dimensions = array<i32: 0>} : vector<384x1024xi32>
    %lt3A = arith.constant 300 : i32
    %lt3A_86 = vector.broadcast %lt3A : i32 to vector<384x1024xi32>
    %lt3A_87 = arith.cmpi slt, %iota3A, %lt3A_86 : vector<384x1024xi32>
    %jit3A = arith.constant 0xFF800000 : f32
    %broadcast_in_dim3A = vector.broadcast %jit3A : f32 to vector<384x1024xf32>
    %select_n3A = arith.select %lt3A_87, %add3A_80, %broadcast_in_dim3A : vector<384x1024xi1>, vector<384x1024xf32>
    %reduce_max3A = arith.constant dense<0xFF800000> : vector<1024xf32>
    %reduce_max3A_88 = vector.multi_reduction <maximumf>, %select_n3A, %reduce_max3A [0] : vector<384x1024xf32> to vector<1024xf32>
    %broadcast_in_dim3A_89 = vector.shape_cast %reduce_max3A_88 : vector<1024xf32> to vector<1x1024xf32>
    %swap3A_90 = arith.constant 0 : index
    %swap3A_91 = arith.constant 0 : index
    %swap3A_92 = arith.constant 0 : index
    %swap3A_93 = vector.load %arg20[%swap3A_90, %swap3A_91, %swap3A_92] : memref<1x1x1024xf32, #tpu.memory_space<vmem>>, vector<1x1x1024xf32>
    %swap3A_94 = vector.shape_cast %swap3A_93 : vector<1x1x1024xf32> to vector<1x1024xf32>
    %swap3A_95 = vector.shape_cast %broadcast_in_dim3A_89 : vector<1x1024xf32> to vector<1x1x1024xf32>
    tpu.vector_store %arg20[%swap3A_90, %swap3A_91, %swap3A_92], %swap3A_95 {strides = array<i32>} : memref<1x1x1024xf32, #tpu.memory_space<vmem>>, vector<1x1x1024xf32>,
    %eq3A = vector.broadcast %broadcast_in_dim3A_89 : vector<1x1024xf32> to vector<384x1024xf32>
    %eq3A_96 = arith.cmpf oeq, %select_n3A, %eq3A : vector<384x1024xf32>
    %jit3A_97 = arith.constant 384 : i32
    %broadcast_in_dim3A_98 = vector.broadcast %jit3A_97 : i32 to vector<384x1024xi32>
    %select_n3A_99 = arith.select %eq3A_96, %iota3A, %broadcast_in_dim3A_98 : vector<384x1024xi1>, vector<384x1024xi32>
    %reduce_min3A = arith.constant dense<2147483647> : vector<1024xi32>
    %reduce_min3A_100 = vector.multi_reduction <minsi>, %select_n3A_99, %reduce_min3A [0] : vector<384x1024xi32> to vector<1024xi32>
    %broadcast_in_dim3A_101 = vector.shape_cast %reduce_min3A_100 : vector<1024xi32> to vector<1x1024xi32>
    %eq3A_102 = vector.broadcast %broadcast_in_dim3A_101 : vector<1x1024xi32> to vector<384x1024xi32>
    %eq3A_103 = arith.cmpi eq, %iota3A, %eq3A_102 : vector<384x1024xi32>
    %get3A_104 = arith.constant 0 : index
    %get3A_105 = arith.constant 0 : index
    %get3A_106 = vector.load %arg16[%get3A_104, %get3A_105] : memref<384x1xf32, #tpu.memory_space<vmem>>, vector<384x1xf32>
    %jit3A_107 = arith.constant 0.000000e+00 : f32
    %broadcast_in_dim3A_108 = vector.shape_cast %get3A_106 : vector<384x1xf32> to vector<384x1xf32>
    %broadcast_in_dim3A_109 = vector.broadcast %broadcast_in_dim3A_108 : vector<384x1xf32> to vector<384x1024xf32>
    %broadcast_in_dim3A_110 = vector.broadcast %jit3A_107 : f32 to vector<384x1024xf32>
    %select_n3A_111 = arith.select %eq3A_103, %broadcast_in_dim3A_109, %broadcast_in_dim3A_110 : vector<384x1024xi1>, vector<384x1024xf32>
    %reduce_sum3A = arith.constant dense<0.000000e+00> : vector<1024xf32>
    %reduce_sum3A_112 = vector.multi_reduction <add>, %select_n3A_111, %reduce_sum3A [0] : vector<384x1024xf32> to vector<1024xf32>
    %broadcast_in_dim3A_113 = vector.shape_cast %reduce_sum3A_112 : vector<1024xf32> to vector<1x1024xf32>
    %get3A_114 = arith.constant 0 : index
    %get3A_115 = arith.constant 0 : index
    %get3A_116 = vector.load %arg17[%get3A_114, %get3A_115] : memref<384x1xf32, #tpu.memory_space<vmem>>, vector<384x1xf32>
    %jit3A_117 = arith.constant 0.000000e+00 : f32
    %broadcast_in_dim3A_118 = vector.shape_cast %get3A_116 : vector<384x1xf32> to vector<384x1xf32>
    %broadcast_in_dim3A_119 = vector.broadcast %broadcast_in_dim3A_118 : vector<384x1xf32> to vector<384x1024xf32>
    %broadcast_in_dim3A_120 = vector.broadcast %jit3A_117 : f32 to vector<384x1024xf32>
    %select_n3A_121 = arith.select %eq3A_103, %broadcast_in_dim3A_119, %broadcast_in_dim3A_120 : vector<384x1024xi1>, vector<384x1024xf32>
    %reduce_sum3A_122 = arith.constant dense<0.000000e+00> : vector<1024xf32>
    %reduce_sum3A_123 = vector.multi_reduction <add>, %select_n3A_121, %reduce_sum3A_122 [0] : vector<384x1024xf32> to vector<1024xf32>
    %broadcast_in_dim3A_124 = vector.shape_cast %reduce_sum3A_123 : vector<1024xf32> to vector<1x1024xf32>
    %get3A_125 = arith.constant 0 : index
    %get3A_126 = arith.constant 0 : index
    %get3A_127 = vector.load %arg18[%get3A_125, %get3A_126] : memref<384x1xf32, #tpu.memory_space<vmem>>, vector<384x1xf32>
    %jit3A_128 = arith.constant 0.000000e+00 : f32
    %broadcast_in_dim3A_129 = vector.shape_cast %get3A_127 : vector<384x1xf32> to vector<384x1xf32>
    %broadcast_in_dim3A_130 = vector.broadcast %broadcast_in_dim3A_129 : vector<384x1xf32> to vector<384x1024xf32>
    %broadcast_in_dim3A_131 = vector.broadcast %jit3A_128 : f32 to vector<384x1024xf32>
    %select_n3A_132 = arith.select %eq3A_103, %broadcast_in_dim3A_130, %broadcast_in_dim3A_131 : vector<384x1024xi1>, vector<384x1024xf32>
    %reduce_sum3A_133 = arith.constant dense<0.000000e+00> : vector<1024xf32>
    %reduce_sum3A_134 = vector.multi_reduction <add>, %select_n3A_132, %reduce_sum3A_133 [0] : vector<384x1024xf32> to vector<1024xf32>
    %broadcast_in_dim3A_135 = vector.shape_cast %reduce_sum3A_134 : vector<1024xf32> to vector<1x1024xf32>
    %concatenate3A = tpu.concatenate %broadcast_in_dim3A_113, %broadcast_in_dim3A_124, %broadcast_in_dim3A_135 in 0 : vector<1x1024xf32>, vector<1x1024xf32>, vector<1x1024xf32> -> vector<3x1024xf32>
    %swap3A_136 = arith.constant 0 : index
    %swap3A_137 = arith.constant 0 : index
    %swap3A_138 = arith.constant 0 : index
    %swap3A_139 = vector.load %arg21[%swap3A_136, %swap3A_137, %swap3A_138] : memref<1x3x1024xf32, #tpu.memory_space<vmem>>, vector<1x3x1024xf32>
    %swap3A_140 = vector.shape_cast %swap3A_139 : vector<1x3x1024xf32> to vector<3x1024xf32>
    %swap3A_141 = vector.shape_cast %concatenate3A : vector<3x1024xf32> to vector<1x3x1024xf32>
    tpu.vector_store %arg21[%swap3A_136, %swap3A_137, %swap3A_138], %swap3A_141 {strides = array<i32>} : memref<1x3x1024xf32, #tpu.memory_space<vmem>>, vector<1x3x1024xf32>,
    %neg3A = arith.constant 0.000000e+00 : f32
    %neg3A_142 = vector.broadcast %neg3A : f32 to vector<1x1024xf32>
    %neg3A_143 = arith.subf %neg3A_142, %broadcast_in_dim3A_113 : vector<1x1024xf32>
    %neg3A_144 = arith.constant 0.000000e+00 : f32
    %neg3A_145 = vector.broadcast %neg3A_144 : f32 to vector<1x1024xf32>
    %neg3A_146 = arith.subf %neg3A_145, %broadcast_in_dim3A_124 : vector<1x1024xf32>
    %neg3A_147 = arith.constant 0.000000e+00 : f32
    %neg3A_148 = vector.broadcast %neg3A_147 : f32 to vector<1x1024xf32>
    %neg3A_149 = arith.subf %neg3A_148, %broadcast_in_dim3A_135 : vector<1x1024xf32>
    %neg3A_150 = arith.constant 0.000000e+00 : f32
    %neg3A_151 = vector.broadcast %neg3A_150 : f32 to vector<1x1024xf32>
    %neg3A_152 = arith.subf %neg3A_151, %neg3A_146 : vector<1x1024xf32>
    %mul3A_153 = arith.mulf %neg3A_152, %neg3A_152 : vector<1x1024xf32>
    %mul3A_154 = arith.mulf %neg3A_143, %neg3A_143 : vector<1x1024xf32>
    %add3A_155 = arith.addf %mul3A_153, %mul3A_154 : vector<1x1024xf32>
    %add3A_156 = arith.constant 0.000000e+00 : f32
    %add3A_157 = vector.broadcast %add3A_156 : f32 to vector<1x1024xf32>
    %add3A_158 = arith.addf %add3A_155, %add3A_157 : vector<1x1024xf32>
    %sqrt3A_159 = math.sqrt %add3A_158 : vector<1x1024xf32>
    %eq3A_160 = arith.constant 0.000000e+00 : f32
    %eq3A_161 = vector.broadcast %eq3A_160 : f32 to vector<1x1024xf32>
    %eq3A_162 = arith.cmpf oeq, %sqrt3A_159, %eq3A_161 : vector<1x1024xf32>
    %jit3A_163 = arith.constant 0.000000e+00 : f32
    %broadcast_in_dim3A_164 = vector.broadcast %jit3A_163 : f32 to vector<1x1024xf32>
    %select_n3A_165 = arith.select %eq3A_162, %broadcast_in_dim3A_164, %neg3A_152 : vector<1x1024xi1>, vector<1x1024xf32>
    %jit3A_166 = arith.constant 1.000000e+00 : f32
    %broadcast_in_dim3A_167 = vector.broadcast %jit3A_166 : f32 to vector<1x1024xf32>
    %select_n3A_168 = arith.select %eq3A_162, %broadcast_in_dim3A_167, %neg3A_143 : vector<1x1024xi1>, vector<1x1024xf32>
    %broadcast_in_dim3A_169 = arith.constant 0.000000e+00 : f32
    %broadcast_in_dim3A_170 = vector.broadcast %broadcast_in_dim3A_169 : f32 to vector<1x1024xf32>
    %mul3A_171 = arith.mulf %neg3A_143, %neg3A_143 : vector<1x1024xf32>
    %mul3A_172 = arith.mulf %neg3A_146, %neg3A_146 : vector<1x1024xf32>
    %add3A_173 = arith.addf %mul3A_171, %mul3A_172 : vector<1x1024xf32>
    %mul3A_174 = arith.mulf %neg3A_149, %neg3A_149 : vector<1x1024xf32>
    %add3A_175 = arith.addf %add3A_173, %mul3A_174 : vector<1x1024xf32>
    %sqrt3A_176 = math.sqrt %add3A_175 : vector<1x1024xf32>
    %div3A_177 = arith.divf %neg3A_143, %sqrt3A_176 : vector<1x1024xf32>
    %div3A_178 = arith.divf %neg3A_146, %sqrt3A_176 : vector<1x1024xf32>
    %div3A_179 = arith.divf %neg3A_149, %sqrt3A_176 : vector<1x1024xf32>
    %mul3A_180 = arith.mulf %select_n3A_165, %select_n3A_165 : vector<1x1024xf32>
    %mul3A_181 = arith.mulf %select_n3A_168, %select_n3A_168 : vector<1x1024xf32>
    %add3A_182 = arith.addf %mul3A_180, %mul3A_181 : vector<1x1024xf32>
    %mul3A_183 = arith.mulf %broadcast_in_dim3A_170, %broadcast_in_dim3A_170 : vector<1x1024xf32>
    %add3A_184 = arith.addf %add3A_182, %mul3A_183 : vector<1x1024xf32>
    %sqrt3A_185 = math.sqrt %add3A_184 : vector<1x1024xf32>
    %div3A_186 = arith.divf %select_n3A_165, %sqrt3A_185 : vector<1x1024xf32>
    %div3A_187 = arith.divf %select_n3A_168, %sqrt3A_185 : vector<1x1024xf32>
    %div3A_188 = arith.divf %broadcast_in_dim3A_170, %sqrt3A_185 : vector<1x1024xf32>
    %mul3A_189 = arith.mulf %div3A_178, %div3A_188 : vector<1x1024xf32>
    %mul3A_190 = arith.mulf %div3A_179, %div3A_187 : vector<1x1024xf32>
    %sub3A_191 = arith.subf %mul3A_189, %mul3A_190 : vector<1x1024xf32>
    %mul3A_192 = arith.mulf %div3A_179, %div3A_186 : vector<1x1024xf32>
    %mul3A_193 = arith.mulf %div3A_177, %div3A_188 : vector<1x1024xf32>
    %sub3A_194 = arith.subf %mul3A_192, %mul3A_193 : vector<1x1024xf32>
    %mul3A_195 = arith.mulf %div3A_177, %div3A_187 : vector<1x1024xf32>
    %mul3A_196 = arith.mulf %div3A_178, %div3A_186 : vector<1x1024xf32>
    %sub3A_197 = arith.subf %mul3A_195, %mul3A_196 : vector<1x1024xf32>
    %concatenate3A_198 = tpu.concatenate %div3A_177, %div3A_186, %sub3A_191, %div3A_178, %div3A_187, %sub3A_194, %div3A_179, %div3A_188, %sub3A_197 in 0 : vector<1x1024xf32>, vector<1x1024xf32>, vector<1x1024xf32>, vector<1x1024xf32>, vector<1x1024xf32>, vector<1x1024xf32>, vector<1x1024xf32>, vector<1x1024xf32>, vector<1x1024xf32> -> vector<9x1024xf32>
    %swap3A_199 = arith.constant 0 : index
    %swap3A_200 = arith.constant 0 : index
    %swap3A_201 = arith.constant 0 : index
    %swap3A_202 = vector.load %arg22[%swap3A_199, %swap3A_200, %swap3A_201] : memref<1x9x1024xf32, #tpu.memory_space<vmem>>, vector<1x9x1024xf32>
    %swap3A_203 = vector.shape_cast %swap3A_202 : vector<1x9x1024xf32> to vector<9x1024xf32>
    %swap3A_204 = vector.shape_cast %concatenate3A_198 : vector<9x1024xf32> to vector<1x9x1024xf32>
    tpu.vector_store %arg22[%swap3A_199, %swap3A_200, %swap3A_201], %swap3A_204 {strides = array<i32>} : memref<1x9x1024xf32, #tpu.memory_space<vmem>>, vector<1x9x1024xf32>,
    return
  }
  func.func @transform_0(%arg0: i32) -> (i32, i32, i32) {
    %c0_i32 = arith.constant 0 : i32
    %c0_i32_0 = arith.constant 0 : i32
    %c0_i32_1 = arith.constant 0 : i32
    return %arg0, %c0_i32, %c0_i32_0 : i32, i32, i32
  }
  func.func @transform_1(%arg0: i32) -> (i32, i32) {
    %c0_i32 = arith.constant 0 : i32
    %c0_i32_0 = arith.constant 0 : i32
    %c0_i32_1 = arith.constant 0 : i32
    return %c0_i32, %c0_i32_0 : i32, i32
  }
  func.func @transform_2(%arg0: i32) -> (i32, i32) {
    %c0_i32 = arith.constant 0 : i32
    %c0_i32_0 = arith.constant 0 : i32
    %c0_i32_1 = arith.constant 0 : i32
    return %c0_i32, %c0_i32_0 : i32, i32
  }
  func.func @transform_3(%arg0: i32) -> (i32, i32) {
    %c0_i32 = arith.constant 0 : i32
    %c0_i32_0 = arith.constant 0 : i32
    %c0_i32_1 = arith.constant 0 : i32
    return %c0_i32, %c0_i32_0 : i32, i32
  }
  func.func @transform_4(%arg0: i32) -> (i32, i32) {
    %c0_i32 = arith.constant 0 : i32
    %c0_i32_0 = arith.constant 0 : i32
    %c0_i32_1 = arith.constant 0 : i32
    return %c0_i32, %c0_i32_0 : i32, i32
  }
  func.func @transform_5(%arg0: i32) -> (i32, i32) {
    %c0_i32 = arith.constant 0 : i32
    %c0_i32_0 = arith.constant 0 : i32
    %c0_i32_1 = arith.constant 0 : i32
    return %c0_i32, %c0_i32_0 : i32, i32
  }
  func.func @transform_6(%arg0: i32) -> (i32, i32) {
    %c0_i32 = arith.constant 0 : i32
    %c0_i32_0 = arith.constant 0 : i32
    %c0_i32_1 = arith.constant 0 : i32
    return %c0_i32, %c0_i32_0 : i32, i32
  }
  func.func @transform_7(%arg0: i32) -> (i32, i32) {
    %c0_i32 = arith.constant 0 : i32
    %c0_i32_0 = arith.constant 0 : i32
    %c0_i32_1 = arith.constant 0 : i32
    return %c0_i32, %c0_i32_0 : i32, i32
  }
  func.func @transform_8(%arg0: i32) -> (i32, i32) {
    %c0_i32 = arith.constant 0 : i32
    %c0_i32_0 = arith.constant 0 : i32
    %c0_i32_1 = arith.constant 0 : i32
    return %c0_i32, %c0_i32_0 : i32, i32
  }
  func.func @transform_9(%arg0: i32) -> (i32, i32) {
    %c0_i32 = arith.constant 0 : i32
    %c0_i32_0 = arith.constant 0 : i32
    %c0_i32_1 = arith.constant 0 : i32
    return %c0_i32, %c0_i32_0 : i32, i32
  }
  func.func @transform_10(%arg0: i32) -> (i32, i32) {
    %c0_i32 = arith.constant 0 : i32
    %c0_i32_0 = arith.constant 0 : i32
    %c0_i32_1 = arith.constant 0 : i32
    return %c0_i32, %c0_i32_0 : i32, i32
  }
  func.func @transform_11(%arg0: i32) -> (i32, i32) {
    %c0_i32 = arith.constant 0 : i32
    %c0_i32_0 = arith.constant 0 : i32
    %c0_i32_1 = arith.constant 0 : i32
    return %c0_i32, %c0_i32_0 : i32, i32
  }
  func.func @transform_12(%arg0: i32) -> (i32, i32) {
    %c0_i32 = arith.constant 0 : i32
    %c0_i32_0 = arith.constant 0 : i32
    %c0_i32_1 = arith.constant 0 : i32
    return %c0_i32, %c0_i32_0 : i32, i32
  }
  func.func @transform_13(%arg0: i32) -> (i32, i32) {
    %c0_i32 = arith.constant 0 : i32
    %c0_i32_0 = arith.constant 0 : i32
    %c0_i32_1 = arith.constant 0 : i32
    return %c0_i32, %c0_i32_0 : i32, i32
  }
  func.func @transform_14(%arg0: i32) -> (i32, i32) {
    %c0_i32 = arith.constant 0 : i32
    %c0_i32_0 = arith.constant 0 : i32
    %c0_i32_1 = arith.constant 0 : i32
    return %c0_i32, %c0_i32_0 : i32, i32
  }
  func.func @transform_15(%arg0: i32) -> (i32, i32) {
    %c0_i32 = arith.constant 0 : i32
    %c0_i32_0 = arith.constant 0 : i32
    %c0_i32_1 = arith.constant 0 : i32
    return %c0_i32, %c0_i32_0 : i32, i32
  }
  func.func @transform_16(%arg0: i32) -> (i32, i32) {
    %c0_i32 = arith.constant 0 : i32
    %c0_i32_0 = arith.constant 0 : i32
    %c0_i32_1 = arith.constant 0 : i32
    return %c0_i32, %c0_i32_0 : i32, i32
  }
  func.func @transform_17(%arg0: i32) -> (i32, i32) {
    %c0_i32 = arith.constant 0 : i32
    %c0_i32_0 = arith.constant 0 : i32
    %c0_i32_1 = arith.constant 0 : i32
    return %c0_i32, %c0_i32_0 : i32, i32
  }
  func.func @transform_18(%arg0: i32) -> (i32, i32, i32) {
    %c0_i32 = arith.constant 0 : i32
    %c0_i32_0 = arith.constant 0 : i32
    %c0_i32_1 = arith.constant 0 : i32
    return %arg0, %c0_i32, %c0_i32_0 : i32, i32, i32
  }
  func.func @transform_19(%arg0: i32) -> (i32, i32, i32) {
    %c0_i32 = arith.constant 0 : i32
    %c0_i32_0 = arith.constant 0 : i32
    %c0_i32_1 = arith.constant 0 : i32
    return %arg0, %c0_i32, %c0_i32_0 : i32, i32, i32
  }
  func.func @transform_20(%arg0: i32) -> (i32, i32, i32) {
    %c0_i32 = arith.constant 0 : i32
    %c0_i32_0 = arith.constant 0 : i32
    %c0_i32_1 = arith.constant 0 : i32
    return %arg0, %c0_i32, %c0_i32_0 : i32, i32, i32
  }
  func.func @transform_21(%arg0: i32) -> (i32, i32, i32) {
    %c0_i32 = arith.constant 0 : i32
    %c0_i32_0 = arith.constant 0 : i32
    %c0_i32_1 = arith.constant 0 : i32
    return %arg0, %c0_i32, %c0_i32_0 : i32, i32, i32
  }
}

</mosaic_0001>

<sc_bundles>
// kernel: kernel.6.cloned.1.call-start
scs
__scs_entry_jumppad:
0x0: {  	(pc) =	sbr.rel $0x88, $3  }
0x1: {  	(tag) =	ssettag $0x0;
	lr =	simm.s32 $0x1  }
0x2: {  	[smem:$0x3F89] =	sst lr;
	_ =	strace $0xD0000000  }
0x3: {  	_ = 	snop  }
0x4: {  	_ = 	snop  }
0x5: {  	_ = 	snop  }
0x6: {  	_ = 	snop  }
0x7: {  	_ = 	snop  }
__scs_overlays_trampoline_lowered:
0x8: {  	[smem:$0x3F98] =	sst s0  }
0x9: {  	[smem:$0x3F99] =	sst s1  }
0xa: {  	[smem:$0x3F9A] =	sst s2  }
0xb: {  	[smem:$0x3F9B] =	sst s3  }
0xc: {  	[smem:$0x3F9C] =	sst s4  }
0xd: {  	[smem:$0x3F9D] =	sst s5  }
0xe: {  	[smem:$0x3F9E] =	sst s6  }
0xf: {  	[smem:$0x3F9F] =	sst s7  }
0x10: {  	[smem:$0x3FA0] =	sst s8  }
0x11: {  	[smem:$0x3FA1] =	sst s9;
	s0 =	simm.s32 @!p0 $0x0  }
0x12: {  	s1 =	sld [smem:$0x3F87];
	s0 =	simm.s32 @p0 $0x1  }
0x13: {  	[smem:$0x3FA2] =	sst s0;
	s0 =	simm.s32 @!p1 $0x0  }
0x14: {  	s2 =	sld [smem:$0x3F86];
	s0 =	simm.s32 @p1 $0x1  }
0x15: {  	[smem:$0x3FA3] =	sst s0;
	s0 =	simm.s32 @!p2 $0x0  }
0x16: {  	s3 =	sld [smem:$0x3FDB];
	s0 =	simm.s32 @p2 $0x1  }
0x17: {  	s4 =	simm.s32 $0x1BF5;
	[smem:$0x3FA5] =	sst s0  }
0x18: {  	s0 =	sld [smem:$0x3F88];
	_ =	swait.ge [sflag:s4], $0x0  }
0x19: {  	s7 =	sld [smem:$0x3F89]  }
0x1a: {  	s8 =	sadd.s32 $0xFFFFE003, lr  }
0x1b: {  	s9 =	sadd.s32 $0xFFFFFEF7, lr;
	s5 =	simm.s32 $0xFFFFFFFF;
	p2 =	slt.u32 s8, $0xFFFFF086  }
0x1c: {  	p1 =	slt.u32 s9, $0xF7A;
	s5 =	simm.s32 @!p2 $0x0  }
0x1d: {  	s5 =	simm.s32 @p1 $0x1;
	p0 =	seq.s32 s7, s2  }
0x1e: {  	s7 =	smul.u32 @!p0 $0xF7A, s2;
	p2 =	seq.s32 @!p0 s5, $0x0  }
0x1f: {  	s9 =	smul.u32 $0xF7A, s1;
	s8 =	simm.s32 @!p0 $0x1BF5;
	p2 =	por !p2, p0  }
0x20: {  	[sflag:s8] =	ssyncset.s32 @!p0 $0xFFFFF086;
	s6 =	sadd.s32 @!p0 s3, s7;
	s7 =	simm.s32 @!p0 $0x108  }
0x21: {  	s3 =	sadd.s32 s3, s9;
	s6 =	sadd.s32 @!p0 $0x88, s6;
	s7 =	simm.s32 @p2 $0x1082  }
0x22: {  	[simem:s7], [sflag:s8] =	dma.local @!p0 [hbm:s6], $0xF7A  }
0x23: {  	s9 =	sor.u32 $0xD0000000, s2;
	s6 =	simm.s32 $0x108;
	_ =	swait.ge @!p0 [sflag:s8], $0x0  }
0x24: {  	s3 =	sadd.s32 $0x88, s3;
	s6 =	simm.s32 @!p1 $0x1082;
	[sflag:s4] =	ssyncset.s32 $0xFFFFF086  }
0x25: {  	[simem:s6], [sflag:s4] =	dma.local [hbm:s3], $0xF7A  }
0x26: {  	[smem:$0x3F89] =	sst s1;
	(tag) =	ssettag s2;
	_ =	strace s9  }
0x27: {  	s1 =	sld [smem:$0x3F99]  }
0x28: {  	s2 =	sld [smem:$0x3F9A]  }
0x29: {  	s4 =	sld [smem:$0x3F9C]  }
0x2a: {  	p0 =	seq.s32 s5, $0x0;
	s5 =	sld [smem:$0x3F9D]  }
0x2b: {  	s6 =	sld [smem:$0x3F9E]  }
0x2c: {  	s7 =	sld [smem:$0x3F9F]  }
0x2d: {  	s3 =	simm.s32 $0x108;
	s8 =	sld [smem:$0x3FA0]  }
0x2e: {  	s3 =	simm.s32 @!p0 $0x1082;
	s9 =	sld [smem:$0x3FA1]  }
0x2f: {  	lr =	sadd.s32 s0, s3;
	s0 =	sld [smem:$0x3F98]  }
0x30: {  	s3 =	sld [smem:$0x3F9B]  }
0x31: {  	[smem:$0x3FA4] =	sst s10  }
0x32: {  	s10 =	sld [smem:$0x3FA2];
	_ =	sdelay $0x3  }
0x33: {  	p0 =	seq.s32 s10, $0x1;
	s10 =	sld [smem:$0x3FA4];
	_ =	sdelay $0x3  }
0x34: {  	[smem:$0x3FA4] =	sst s10  }
0x35: {  	s10 =	sld [smem:$0x3FA3];
	_ =	sdelay $0x3  }
0x36: {  	p1 =	seq.s32 s10, $0x1;
	s10 =	sld [smem:$0x3FA4];
	_ =	sdelay $0x3  }
0x37: {  	[smem:$0x3FA4] =	sst s10  }
0x38: {  	s10 =	sld [smem:$0x3FA5]  }
0x39: {  	_ = 	snop;
	(pc) =	sbr.ind lr, $3  }
0x3a: {  	_ = 	snop  }
0x3b: {  	_ = 	snop  }
0x3c: {  	p2 =	seq.s32 s10, $0x1;
	s10 =	sld [smem:$0x3FA4]  }
0x3d: {  	_ =	shalt  }
0x3e: {  	_ =	shalt  }
0x3f: {  	_ =	shalt  }
0x40: {  	_ =	shalt  }
0x41: {  	_ =	shalt  }
0x42: {  	_ =	shalt  }
0x43: {  	_ =	shalt  }
0x44: {  	_ =	shalt  }
0x45: {  	_ =	shalt  }
0x46: {  	_ =	shalt  }
0x47: {  	_ =	shalt  }
0x48: {  	_ =	shalt  }
0x49: {  	_ =	shalt  }
0x4a: {  	_ =	shalt  }
0x4b: {  	_ =	shalt  }
0x4c: {  	_ =	shalt  }
0x4d: {  	_ =	shalt  }
0x4e: {  	_ =	shalt  }
0x4f: {  	_ =	shalt  }
0x50: {  	_ =	shalt  }
0x51: {  	_ =	shalt  }
0x52: {  	_ =	shalt  }
0x53: {  	_ =	shalt  }
0x54: {  	_ =	shalt  }
0x55: {  	_ =	shalt  }
0x56: {  	_ =	shalt  }
0x57: {  	_ =	shalt  }
0x58: {  	_ =	shalt  }
0x59: {  	_ =	shalt  }
0x5a: {  	_ =	shalt  }
0x5b: {  	_ =	shalt  }
0x5c: {  	_ =	shalt  }
0x5d: {  	_ =	shalt  }
0x5e: {  	_ =	shalt  }
0x5f: {  	_ =	shalt  }
0x60: {  	_ =	shalt  }
0x61: {  	_ =	shalt  }
0x62: {  	_ =	shalt  }
0x63: {  	_ =	shalt  }
0x64: {  	_ =	shalt  }
0x65: {  	_ =	shalt  }
0x66: {  	_ =	shalt  }
0x67: {  	_ =	shalt  }
0x68: {  	_ =	shalt  }
0x69: {  	_ =	shalt  }
0x6a: {  	_ =	shalt  }
0x6b: {  	_ =	shalt  }
0x6c: {  	_ =	shalt  }
0x6d: {  	_ =	shalt  }
0x6e: {  	_ =	shalt  }
0x6f: {  	_ =	shalt  }
0x70: {  	_ =	shalt  }
0x71: {  	_ =	shalt  }
0x72: {  	_ =	shalt  }
0x73: {  	_ =	shalt  }
0x74: {  	_ =	shalt  }
0x75: {  	_ =	shalt  }
0x76: {  	_ =	shalt  }
0x77: {  	_ =	shalt  }
0x78: {  	_ =	shalt  }
0x79: {  	_ =	shalt  }
0x7a: {  	_ =	shalt  }
0x7b: {  	_ =	shalt  }
0x7c: {  	_ =	shalt  }
0x7d: {  	_ =	shalt  }
0x7e: {  	_ =	shalt  }
0x7f: {  	_ =	shalt  }
0x80: {  	_ =	shalt  }
0x81: {  	_ =	shalt  }
0x82: {  	_ =	shalt  }
0x83: {  	_ =	shalt  }
0x84: {  	_ =	shalt  }
0x85: {  	_ =	shalt  }
0x86: {  	_ =	shalt  }
0x87: {  	_ =	shalt  }
.Lfunc_end0:
.L_simem_size_0:
called_computation_lowered:
.L_overlay_start_0:
0x88: {  	s2 =	sld [smem:$0x3FD9]  }
0x89: {  	s3 =	sld [smem:$0x3FFE];
	_ =	sdelay $0x1  }
0x8a: {  	s1 =	srdreg.scid  }
0x8b: {  	s0 =	sand.u32 $0x1, s1  }
0x8c: {  	s14 =	sshll.u32 s0, $0xA;
	s2 =	sadd.s32 s3, s2  }
0x8d: {  	s2 =	sadd.s32 s2, s14  }
0x8e: {  	[smem:$0x3FB0] =	sst s2  }
0x8f: {  	_ = 	snop  }
0x90: {  	s2 =	sld [smem:$0x3FD0];
	_ =	sdelay $0x2  }
0x91: {  	s15 =	simm.s32 $0xA;
	s4 =	simm.s32 $0x10  }
0x92: {  	[smem:s4], [sflag:s15] =	dma.local [hbm:s2], $0x1  }
0x93: {  	_ =	swait.eq [sflag:s15], $0x1  }
0x94: {  	[sflag:s15] =	ssyncset.done $0x0  }
0x95: {  	[sflag:s15] =	ssyncadd.s32 $0xFFFFFFFF  }
0x96: {  	s16 =	sld [smem:$0x15];
	(tm) =	ssettm $0x1  }
0x97: {  	s17 =	sld [smem:$0x3FFB];
	_ =	sdelay $0x3  }
0x98: {  	_ =	strace s17  }
0x99: {  	s3 =	sld [smem:$0x3FFC];
	_ =	sdelay $0x3  }
0x9a: {  	_ =	strace s3  }
0x9b: {  	s3 =	sld [smem:$0x3FFD];
	_ =	sdelay $0x3  }
0x9c: {  	_ =	strace s3  }
0x9d: {  	_ =	strace $0x8FFFFFFF  }
0x9e: {  	s18 =	sld [smem:$0x3FDB];
	_ =	sdelay $0x1  }
0x9f: {  	s19 =	simm.s32 $_scs_section_size  }
0xa0: {  	s5 =	simm.s32 $_size__tile_overlayer_lowered;
	s6 =	simm.s32 $_tile_overlayer_lowered  }
0xa1: {  	s22 =	simm.s32 $0x1BFF;
	s21 =	sshll.u32 s6, $0x1;
	s3 =	sadd.s32 s19, s18  }
0xa2: {  	s7 =	simm.s32 $0x0;
	s20 =	sshll.u32 s5, $0x1;
	s5 =	sadd.s32 s21, s3  }
0xa3: {  	[timem:s7], [sflag:s22] =	dma.local [hbm:s5], s20  }
0xa4: {  	_ =	swait.ge [sflag:s22], s20  }
0xa5: {  	s4 =	ssub.s32 $0x0, s20;
	[sflag:s22] =	ssyncset.done $0x0  }
0xa6: {  	[sflag:s22] =	ssyncadd.s32 s4;
	_ =	sdelay $0x1  }
0xa7: {  	s23 =	simm.s32 $0x1B8B  }
0xa8: {  	_ =	swait.ge [sflag:s23], $0x1  }
0xa9: {  	[sflag:s23] =	ssyncset.done $0x0  }
0xaa: {  	s25 =	simm.s32 $0x1B8E;
	s24 =	sld [smem:$0x3FFE];
	[sflag:s23] =	ssyncadd.s32 $0xFFFFFFFF  }
0xab: {  	s26 =	simm.s32 $execute0_lowered;
	[smem:$0x3FD2] =	sst s25  }
0xac: {  	s5 =	sshll.u32 s26, $0x1;
	_ =	strace $0x80000046;
	[dreg:$0x1] =	wrdreg $0xFFFFFFFF  }
0xad: {  	s28 =	simm.s32 $_size_execute0_lowered;
	s3 =	sadd.s32 s3, s5;
	[dreg:$0x0] =	wrdreg $0x0  }
0xae: {  	s5 =	sshll.u32 s28, $0x1;
	[dreg:$0x2] =	wrdreg s3  }
0xaf: {  	[dreg:$0x3] =	wrdreg s5  }
0xb0: {  	[dreg:$0x4] =	wrdreg $0xC0  }
0xb1: {  	_ =	task [dreg:s7], $0x5FFFF  }
0xb2: {  	[dreg:$0x1] =	wrdreg $0xFFFFFFFF  }
0xb3: {  	[dreg:$0x0] =	wrdreg $0x60  }
0xb4: {  	[dreg:$0x2] =	wrdreg s16  }
0xb5: {  	[dreg:$0x3] =	wrdreg s24  }
0xb6: {  	[dreg:$0x4] =	wrdreg $0x9  }
0xb7: {  	_ =	task.clear_ibuf [dreg:s7], $0x5FFFF;
	_ =	strace $0x90000046  }
0xb8: {  	s29 =	simm.s32 $0x9;
	_ =	strace $0x80000048  }
0xb9: {  	_ =	swait.ge [sflag:s29], $0x1  }
0xba: {  	[sflag:s29] =	ssyncadd.s32 $0xFFFFFFFF  }
0xbb: {  	_ =	strace $0x90000048  }
0xbc: {  	_ =	sfence  }
0xbd: {  	s30 =	sld [smem:$0x0];
	_ =	sdelay $0x2  }
0xbe: {  	s31 =	sshll.u32 s1, $0xD;
	s1 =	sshrl.u32 s1, $0x2  }
0xbf: {  	s3 =	sand.u32 $0x4000, s31;
	s1 =	sadd.s32 s1, s30  }
0xc0: {  	s0 =	sor.u32 s3, s0;
	s1 =	sshll.u32 s1, $0x11  }
0xc1: {  	s0 =	sor.u32 s1, s0  }
0xc2: {  	s0 =	sadd.s32 $0x8F2B, s0  }
0xc3: {  	[sflag:s0] =	ssyncadd.remote.s32 $0x1  }
0xc4: {  	_ =	sfence.sel $0xFFFF  }
0xc5: {  	[dreg:$0x0] =	wrdreg $0xFFFFFFFF;
	(pc) =	sbr.abs _section_cstart, $3  }
0xc6: {  	[dreg:$0x1] =	wrdreg $0xFFFFFFFF  }
0xc7: {  	_ =	task.clear_ibuf [dreg:s7], $0x2FFFF;
	_ =	strace $0x9FFFFFFF  }
0xc8: {  	(tm) =	ssettm $0x7FFFFFFF  }
0xc9: {  	_ =	shalt  }
tec
execute0_lowered:
.L_overlay_start_1:
0x0: {  	(tag) =	ssettag $0x1  }
0x1: {  	s1 =	srdreg.scid;
	s3 =	rddreg [dreg:$0x0]  }
0x2: {  	s0 =	stileid.u32;
	s5 =	rddreg [dreg:$0x1]  }
0x3: {  	s18 =	simm.s32 $0x880;
	s19 =	simm.s32 $0xC80;
	s20 =	simm.s32 $0x1480  }
0x4: {  	s21 =	simm.s32 $0x1880;
	s23 =	simm.s32 $0x2080;
	s24 =	simm.s32 $0x2480  }
0x5: {  	s25 =	simm.s32 $0x2C80;
	s26 =	simm.s32 $0x3080;
	s1 =	sand.u32 $0x1, s1  }
0x6: {  	s7 =	simm.s32 $0x80;
	s2 =	sshll.u32 s0, $0x5;
	s4 =	sshll.u32 s1, $0x4  }
0x7: {  	s9 =	simm.s32 $0x3C80;
	s4 =	sor.u32 s4, s2;
	s2 =	simm.s32 $0x0  }
0x8: {  	s10 =	simm.s32 $0x4480;
	[smem:$0x7FF] =	sst s2;
	s3 =	sadd.s32 s3, s4  }
0x9: {  	s11 =	simm.s32 $0x4880;
	_ =	strace $0x80000047;
	[dreg:$0x3] =	wrdreg s3  }
0xa: {  	s12 =	simm.s32 $0x5080;
	s13 =	simm.s32 $0x5480;
	[dreg:$0x5] =	wrdreg s18  }
0xb: {  	s14 =	simm.s32 $0x5C80;
	s15 =	simm.s32 $0x6080;
	[dreg:$0x6] =	wrdreg s19  }
0xc: {  	s16 =	simm.s32 $0x6880;
	s28 =	simm.s32 $0xA880;
	[dreg:$0x7] =	wrdreg s20  }
0xd: {  	s29 =	simm.s32 $0xB080;
	s30 =	simm.s32 $0xB480;
	[dreg:$0x8] =	wrdreg s21  }
0xe: {  	s31 =	simm.s32 $0xBC80;
	s1 =	ssub.s32 $0x2, s1;
	[dreg:$0x9] =	wrdreg s23  }
0xf: {  	s22 =	sshrl.u32 s1, $0x1;
	s6 =	smul.u32 $0x180, s4;
	[dreg:$0xa] =	wrdreg s24  }
0x10: {  	s1 =	ssub.s32 s1, s22;
	s4 =	sadd.s32 $0x3D00, s5;
	[dreg:$0xb] =	wrdreg s25  }
0x11: {  	s22 =	simm.s32 $0x8C80;
	s3 =	sadd.s32 $0x3C00, s5;
	[dreg:$0xc] =	wrdreg s26  }
0x12: {  	s18 =	simm.s32 $0x7480;
	s19 =	simm.s32 $0x7880;
	s20 =	simm.s32 $0x8080  }
0x13: {  	s21 =	simm.s32 $0x8480;
	s23 =	simm.s32 $0x9080;
	s24 =	simm.s32 $0x9880  }
0x14: {  	v2 =	vlaneseq.u32;
	s25 =	simm.s32 $0x9C80;
	s26 =	simm.s32 $0xA480;
	s6 =	sadd.s32 s6, s5  }
0x15: {  	vm0 =	vmmov $0xffff;
	vm1 =	vmmov $0xff;
	v1 =	vshrl.u32 v2, $0x3;
	s5 =	smax.u32 s1, $0x1;
	s1 =	simm.s32 $0x1;
	s17 =	sadd.s32 $0x303C00, s6  }
0x16: {  	v0 =	vand.u32 $0x7, v2;
	v2 =	vor.u32 $0x8, v2;
	v1 =	vmul.u32 $0x8, v1;
	s6 =	simm.s32 $0x2;
	[dreg:$0x4] =	wrdreg s17;
	s17 =	simm.s32 $0x6C80  }
.LBB2_1:
0x17: {  	s0 =	rddreg [dreg:$0x3]  }
0x18: {  	[tilespmem:s2], [sflag:$0x2] =	stream.linear.gather [hbm4b:s0+s2], $0x80, $0x38;
	[tilespmem:$0xC080] =	vst v63  }
0x19: {  	_ =	swait.ge [sflag:s6], $0x80  }
0x1a: {  	[sflag:s6] =	ssyncset.done $0x0  }
0x1b: {  	[sflag:s6] =	ssyncadd.s32 $0xFFFFFF80  }
0x1c: {  	v3 =	vld [tilespmem:$0x0];
	_ =	sdelay $0x4  }
0x1d: {  	v4 =	vshrl.u32 v3, $0x3  }
0x1e: {  	v4 =	vmul.u32 $0x18, v4  }
0x1f: {  	v3 =	vand.u32 $0x7, v3  }
0x20: {  	v3 =	vor.u32 v3, v4  }
0x21: {  	v4 =	vperm.xlane v3, v0;
	_ =	sdelay $0x1  }
0x22: {  	v4 =	vadd.s32 v1, v4;
	_ =	sdelay $0x1  }
0x23: {  	v3 =	vperm.xlane v3, v2;
	_ =	sdelay $0x1  }
0x24: {  	v3 =	vadd.s32 v1, v3  }
0x25: {  	[tilespmem:s7], [sflag:$0x1] =	stream.indirect_vreg.gather [hbm4b:s3+s2], $0x80, v4, vm0, $0xb8;
	[tilespmem:$0xC080] =	vst v63  }
0x26: {  	s0 =	rddreg [dreg:$0x5]  }
0x27: {  	[tilespmem:s0], [sflag:$0x1] =	stream.indirect_vreg.gather [hbm4b:s4+s2], $0x80, v4, vm1, $0xb8;
	[tilespmem:$0xC080] =	vst v63  }
0x28: {  	s8 =	rddreg [dreg:$0x6]  }
0x29: {  	[tilespmem:s8], [sflag:$0x1] =	stream.indirect_vreg.gather [hbm4b:s3+s2], $0x80, v3, vm0, $0xb8;
	[tilespmem:$0xC080] =	vst v63  }
0x2a: {  	s0 =	rddreg [dreg:$0x7]  }
0x2b: {  	[tilespmem:s0], [sflag:$0x1] =	stream.indirect_vreg.gather [hbm4b:s4+s2], $0x80, v3, vm1, $0xb8;
	[tilespmem:$0xC080] =	vst v63  }
0x2c: {  	v3 =	vld [tilespmem:$0x10];
	_ =	sdelay $0x4  }
0x2d: {  	v57 =	vshrl.u32 v3, $0x3  }
0x2e: {  	v4 =	vmul.u32 $0x18, v57  }
0x2f: {  	v3 =	vand.u32 $0x7, v3  }
0x30: {  	v3 =	vor.u32 v3, v4  }
0x31: {  	v4 =	vperm.xlane v3, v0;
	_ =	sdelay $0x1  }
0x32: {  	v4 =	vadd.s32 v1, v4;
	_ =	sdelay $0x1  }
0x33: {  	v3 =	vperm.xlane v3, v2;
	_ =	sdelay $0x1  }
0x34: {  	s0 =	rddreg [dreg:$0x8];
	v3 =	vadd.s32 v1, v3  }
0x35: {  	[tilespmem:s0], [sflag:$0x1] =	stream.indirect_vreg.gather [hbm4b:s3+s2], $0x80, v4, vm0, $0xb8;
	[tilespmem:$0xC080] =	vst v63  }
0x36: {  	s8 =	rddreg [dreg:$0x9]  }
0x37: {  	[tilespmem:s8], [sflag:$0x1] =	stream.indirect_vreg.gather [hbm4b:s4+s2], $0x80, v4, vm1, $0xb8;
	[tilespmem:$0xC080] =	vst v63  }
0x38: {  	s0 =	rddreg [dreg:$0xa]  }
0x39: {  	[tilespmem:s0], [sflag:$0x1] =	stream.indirect_vreg.gather [hbm4b:s3+s2], $0x80, v3, vm0, $0xb8;
	[tilespmem:$0xC080] =	vst v63  }
0x3a: {  	s8 =	rddreg [dreg:$0xb]  }
0x3b: {  	[tilespmem:s8], [sflag:$0x1] =	stream.indirect_vreg.gather [hbm4b:s4+s2], $0x80, v3, vm1, $0xb8;
	[tilespmem:$0xC080] =	vst v63  }
0x3c: {  	v3 =	vld [tilespmem:$0x20];
	_ =	sdelay $0x4  }
0x3d: {  	v58 =	vshrl.u32 v3, $0x3  }
0x3e: {  	v4 =	vmul.u32 $0x18, v58  }
0x3f: {  	v3 =	vand.u32 $0x7, v3  }
0x40: {  	v3 =	vor.u32 v3, v4  }
0x41: {  	v4 =	vperm.xlane v3, v0;
	_ =	sdelay $0x1  }
0x42: {  	v4 =	vadd.s32 v1, v4;
	_ =	sdelay $0x1  }
0x43: {  	v3 =	vperm.xlane v3, v2;
	_ =	sdelay $0x1  }
0x44: {  	s8 =	rddreg [dreg:$0xc];
	v3 =	vadd.s32 v1, v3  }
0x45: {  	[tilespmem:s8], [sflag:$0x1] =	stream.indirect_vreg.gather [hbm4b:s3+s2], $0x80, v4, vm0, $0xb8;
	[tilespmem:$0xC080] =	vst v63  }
0x46: {  	s8 =	simm.s32 $0x3880  }
0x47: {  	[tilespmem:s8], [sflag:$0x1] =	stream.indirect_vreg.gather [hbm4b:s4+s2], $0x80, v4, vm1, $0xb8;
	[tilespmem:$0xC080] =	vst v63  }
0x48: {  	_ = 	snop  }
0x49: {  	[tilespmem:s9], [sflag:$0x1] =	stream.indirect_vreg.gather [hbm4b:s3+s2], $0x80, v3, vm0, $0xb8;
	[tilespmem:$0xC080] =	vst v63  }
0x4a: {  	_ = 	snop  }
0x4b: {  	[tilespmem:s10], [sflag:$0x1] =	stream.indirect_vreg.gather [hbm4b:s4+s2], $0x80, v3, vm1, $0xb8;
	[tilespmem:$0xC080] =	vst v63  }
0x4c: {  	v3 =	vld [tilespmem:$0x30];
	_ =	sdelay $0x4  }
0x4d: {  	v59 =	vshrl.u32 v3, $0x3  }
0x4e: {  	v4 =	vmul.u32 $0x18, v59  }
0x4f: {  	v3 =	vand.u32 $0x7, v3  }
0x50: {  	v3 =	vor.u32 v3, v4  }
0x51: {  	v4 =	vperm.xlane v3, v0;
	_ =	sdelay $0x1  }
0x52: {  	v4 =	vadd.s32 v1, v4;
	_ =	sdelay $0x1  }
0x53: {  	v3 =	vperm.xlane v3, v2;
	_ =	sdelay $0x1  }
0x54: {  	v3 =	vadd.s32 v1, v3  }
0x55: {  	[tilespmem:s11], [sflag:$0x1] =	stream.indirect_vreg.gather [hbm4b:s3+s2], $0x80, v4, vm0, $0xb8;
	[tilespmem:$0xC080] =	vst v63  }
0x56: {  	_ = 	snop  }
0x57: {  	[tilespmem:s12], [sflag:$0x1] =	stream.indirect_vreg.gather [hbm4b:s4+s2], $0x80, v4, vm1, $0xb8;
	[tilespmem:$0xC080] =	vst v63  }
0x58: {  	_ = 	snop  }
0x59: {  	[tilespmem:s13], [sflag:$0x1] =	stream.indirect_vreg.gather [hbm4b:s3+s2], $0x80, v3, vm0, $0xb8;
	[tilespmem:$0xC080] =	vst v63  }
0x5a: {  	_ = 	snop  }
0x5b: {  	[tilespmem:s14], [sflag:$0x1] =	stream.indirect_vreg.gather [hbm4b:s4+s2], $0x80, v3, vm1, $0xb8;
	[tilespmem:$0xC080] =	vst v63  }
0x5c: {  	v3 =	vld [tilespmem:$0x40];
	_ =	sdelay $0x4  }
0x5d: {  	v60 =	vshrl.u32 v3, $0x3  }
0x5e: {  	v4 =	vmul.u32 $0x18, v60  }
0x5f: {  	v3 =	vand.u32 $0x7, v3  }
0x60: {  	v3 =	vor.u32 v3, v4  }
0x61: {  	v4 =	vperm.xlane v3, v0;
	_ =	sdelay $0x1  }
0x62: {  	v4 =	vadd.s32 v1, v4;
	_ =	sdelay $0x1  }
0x63: {  	v3 =	vperm.xlane v3, v2;
	_ =	sdelay $0x1  }
0x64: {  	v3 =	vadd.s32 v1, v3  }
0x65: {  	[tilespmem:s15], [sflag:$0x1] =	stream.indirect_vreg.gather [hbm4b:s3+s2], $0x80, v4, vm0, $0xb8;
	[tilespmem:$0xC080] =	vst v63  }
0x66: {  	_ = 	snop  }
0x67: {  	[tilespmem:s16], [sflag:$0x1] =	stream.indirect_vreg.gather [hbm4b:s4+s2], $0x80, v4, vm1, $0xb8;
	[tilespmem:$0xC080] =	vst v63  }
0x68: {  	_ = 	snop  }
0x69: {  	[tilespmem:s17], [sflag:$0x1] =	stream.indirect_vreg.gather [hbm4b:s3+s2], $0x80, v3, vm0, $0xb8;
	[tilespmem:$0xC080] =	vst v63  }
0x6a: {  	_ = 	snop  }
0x6b: {  	[tilespmem:s18], [sflag:$0x1] =	stream.indirect_vreg.gather [hbm4b:s4+s2], $0x80, v3, vm1, $0xb8;
	[tilespmem:$0xC080] =	vst v63  }
0x6c: {  	v3 =	vld [tilespmem:$0x50];
	_ =	sdelay $0x4  }
0x6d: {  	v61 =	vshrl.u32 v3, $0x3  }
0x6e: {  	v4 =	vmul.u32 $0x18, v61  }
0x6f: {  	v3 =	vand.u32 $0x7, v3  }
0x70: {  	v3 =	vor.u32 v3, v4  }
0x71: {  	v4 =	vperm.xlane v3, v0;
	_ =	sdelay $0x1  }
0x72: {  	v4 =	vadd.s32 v1, v4;
	_ =	sdelay $0x1  }
0x73: {  	v3 =	vperm.xlane v3, v2;
	_ =	sdelay $0x1  }
0x74: {  	v3 =	vadd.s32 v1, v3  }
0x75: {  	[tilespmem:s19], [sflag:$0x1] =	stream.indirect_vreg.gather [hbm4b:s3+s2], $0x80, v4, vm0, $0xb8;
	[tilespmem:$0xC080] =	vst v63  }
0x76: {  	_ = 	snop  }
0x77: {  	[tilespmem:s20], [sflag:$0x1] =	stream.indirect_vreg.gather [hbm4b:s4+s2], $0x80, v4, vm1, $0xb8;
	[tilespmem:$0xC080] =	vst v63  }
0x78: {  	_ = 	snop  }
0x79: {  	[tilespmem:s21], [sflag:$0x1] =	stream.indirect_vreg.gather [hbm4b:s3+s2], $0x80, v3, vm0, $0xb8;
	[tilespmem:$0xC080] =	vst v63  }
0x7a: {  	_ = 	snop  }
0x7b: {  	[tilespmem:s22], [sflag:$0x1] =	stream.indirect_vreg.gather [hbm4b:s4+s2], $0x80, v3, vm1, $0xb8;
	[tilespmem:$0xC080] =	vst v63  }
0x7c: {  	v3 =	vld [tilespmem:$0x60];
	_ =	sdelay $0x4  }
0x7d: {  	v62 =	vshrl.u32 v3, $0x3  }
0x7e: {  	v4 =	vmul.u32 $0x18, v62  }
0x7f: {  	v3 =	vand.u32 $0x7, v3  }
0x80: {  	v3 =	vor.u32 v3, v4  }
0x81: {  	v4 =	vperm.xlane v3, v0;
	_ =	sdelay $0x1  }
0x82: {  	v4 =	vadd.s32 v1, v4;
	_ =	sdelay $0x1  }
0x83: {  	v3 =	vperm.xlane v3, v2;
	_ =	sdelay $0x1  }
0x84: {  	v3 =	vadd.s32 v1, v3  }
0x85: {  	[tilespmem:s23], [sflag:$0x1] =	stream.indirect_vreg.gather [hbm4b:s3+s2], $0x80, v4, vm0, $0xb8;
	[tilespmem:$0xC080] =	vst v63  }
0x86: {  	_ = 	snop  }
0x87: {  	[tilespmem:s24], [sflag:$0x1] =	stream.indirect_vreg.gather [hbm4b:s4+s2], $0x80, v4, vm1, $0xb8;
	[tilespmem:$0xC080] =	vst v63  }
0x88: {  	_ = 	snop  }
0x89: {  	[tilespmem:s25], [sflag:$0x1] =	stream.indirect_vreg.gather [hbm4b:s3+s2], $0x80, v3, vm0, $0xb8;
	[tilespmem:$0xC080] =	vst v63  }
0x8a: {  	_ = 	snop  }
0x8b: {  	[tilespmem:s26], [sflag:$0x1] =	stream.indirect_vreg.gather [hbm4b:s4+s2], $0x80, v3, vm1, $0xb8;
	[tilespmem:$0xC080] =	vst v63  }
0x8c: {  	v3 =	vld [tilespmem:$0x70];
	_ =	sdelay $0x4  }
0x8d: {  	v63 =	vshrl.u32 v3, $0x3  }
0x8e: {  	v4 =	vmul.u32 $0x18, v63  }
0x8f: {  	v3 =	vand.u32 $0x7, v3  }
0x90: {  	v3 =	vor.u32 v3, v4  }
0x91: {  	v4 =	vperm.xlane v3, v0;
	_ =	sdelay $0x1  }
0x92: {  	v4 =	vadd.s32 v1, v4;
	_ =	sdelay $0x1  }
0x93: {  	v3 =	vperm.xlane v3, v2;
	_ =	sdelay $0x1  }
0x94: {  	v3 =	vadd.s32 v1, v3  }
0x95: {  	[tilespmem:s28], [sflag:$0x1] =	stream.indirect_vreg.gather [hbm4b:s3+s2], $0x80, v4, vm0, $0xb8;
	[tilespmem:$0xC080] =	vst v63  }
0x96: {  	_ = 	snop  }
0x97: {  	[tilespmem:s29], [sflag:$0x1] =	stream.indirect_vreg.gather [hbm4b:s4+s2], $0x80, v4, vm1, $0xb8;
	[tilespmem:$0xC080] =	vst v63  }
0x98: {  	_ = 	snop  }
0x99: {  	[tilespmem:s30], [sflag:$0x1] =	stream.indirect_vreg.gather [hbm4b:s3+s2], $0x80, v3, vm0, $0xb8;
	[tilespmem:$0xC080] =	vst v63  }
0x9a: {  	_ = 	snop  }
0x9b: {  	[tilespmem:s31], [sflag:$0x1] =	stream.indirect_vreg.gather [hbm4b:s4+s2], $0x80, v3, vm1, $0xb8;
	[tilespmem:$0xC080] =	vst v63  }
0x9c: {  	_ =	swait.ge [sflag:s1], $0xC000  }
0x9d: {  	p0 =	sne.s32 s5, $0x1;
	[sflag:s1] =	ssyncset.done $0x0  }
.Ltmp0:
0x9e: {  	s8 =	rddreg [dreg:$0x4];
	[sflag:s1] =	ssyncadd.s32 $0xFFFF4000;
	(pc) =	sbr.rel @p0 .LBB2_1-.Ltmp0, $4  }
0x9f: {  	[hbm4b:s8+s2] =	stream.linear.scatter [tilespmem:s7], [sflag:$0x2], $0xC000, $0x38;
	[tilespmem:$0xC080] =	vst v63  }
0xa0: {  	_ =	swait.ge [sflag:s6], $0xC000  }
0xa1: {  	[sflag:s6] =	ssyncset.done $0x0  }
0xa2: {  	s5 =	sadd.s32 $0xFFFFFFFF, s5;
	[sflag:s6] =	ssyncadd.s32 $0xFFFF4000  }
0xa3: {  	_ =	sfence.sel $0x180000  }
0xa4: {  	[bflag:$0x0] =	sbarrier.arrive $0xFFFF  }
0xa5: {  	_ =	strace $0x90000047  }
0xa6: {  	s0 =	stileid.u32;
	[bflag:$0x2] =	sbarrier.arrive $0xFFFF  }
0xa7: {  	p0 =	sne.s32 s0, $0x0;
	s0 =	rddreg [dreg:$0x2]  }
0xa8: {  	s0 =	sadd.s32 @!p0 $0x100000, s0  }
0xa9: {  	[sflag:s0] =	ssyncadd.tile.s32 @!p0 $0x1;
	_ =	shalt  }
.Lfunc_end2:
_tile_overlayer_lowered:
.L_overlay_start_2:
0xaa: {  	(tag) =	ssettag $0x2  }
0xab: {  	s0 =	rddreg [dreg:$0x0];
	s2 =	stileid.u32  }
0xac: {  	s1 =	rddreg [dreg:$0x1];
	p0 =	sne.s32 s2, $0x0  }
0xad: {  	s3 =	rddreg [dreg:$0x2];
	[bflag:$0x3] =	sbarrier.arrive $0xFFFF;
	s2 =	simm.s32 @!p0 $0x1C02  }
0xae: {  	[timem:s3], [sflag:s2] =	dma.local @!p0 [hbm:s0], s1  }
0xaf: {  	s0 =	simm.s32 @!p0 $0x2  }
0xb0: {  	_ =	swait.ge @!p0 [sflag:s0], s1  }
0xb1: {  	s1 =	ssub.s32 @!p0 $0x0, s1;
	[sflag:s0] =	ssyncset.done @!p0 $0x0  }
0xb2: {  	[sflag:s0] =	ssyncadd.s32 @!p0 s1  }
0xb3: {  	[bflag:$0x3] =	sbarrier.arrive $0xFFFF  }
0xb4: {  	_ =	shalt  }

</sc_bundles>
